<compile_context>
chip_gen: v7x
topology: tpu7x:2x2x1
jax: 0.10.2.dev20260603
libtpu: 0.0.44.dev20260713+nightly
codegen_flags: <defaults>
</compile_context>

<pallas_src>
import functools

import jax
import jax.numpy as jnp
from jax import lax
from jax.experimental import pallas as pl
from jax.experimental.pallas import tpu as pltpu
from jax.experimental.pallas import tpu_sc as plsc

N = 10000
NP = 10240
E = 160000
EP = 163840
D = 256
SL = D // 128
EB = 80
TPC = 16
DBPT = EP // TPC // EB
BPC = EP // 2 // EB
ABPT = BPC // TPC
RPT = NP // TPC
RB = 512
NBLK = NP // RB

_sc_mesh = plsc.VectorSubcoreMesh(core_axis_name="c", subcore_axis_name="s")


def _deg_body(srcp, dstp, zeros1, cs_out, cd_out, idx_v, ones_v, spc):
    c = lax.axis_index("c")
    s = lax.axis_index("s")
    for k in range(EB // 16):
        ones_v[pl.ds(k * 16, 16)] = jnp.ones((16,), jnp.float32)
    pltpu.sync_copy(zeros1.at[pl.ds(s * RPT, RPT)], spc.at[pl.ds(s * RPT, RPT)])
    plsc.subcore_barrier()

    def run(idx_hbm, out_hbm):
        pltpu.sync_copy(idx_hbm.at[pl.ds(s * DBPT, DBPT)], idx_v)

        def body(j, carry):
            pltpu.sync_copy(ones_v, spc.at[idx_v.at[j]], add=True)
            return carry

        lax.fori_loop(0, DBPT, body, 0)
        plsc.subcore_barrier()
        pltpu.sync_copy(spc.at[pl.ds(s * RPT, RPT)], out_hbm.at[pl.ds(s * RPT, RPT)])

    @pl.when(c == 0)
    def _():
        run(srcp, cs_out)

    @pl.when(c == 1)
    def _():
        run(dstp, cd_out)


_deg_kernel = functools.partial(
    pl.kernel,
    out_type=(
        jax.ShapeDtypeStruct((NP,), jnp.float32),
        jax.ShapeDtypeStruct((NP,), jnp.float32),
    ),
    mesh=_sc_mesh,
    scratch_types=[
        pltpu.VMEM((DBPT, EB), jnp.int32),
        pltpu.VMEM((EB,), jnp.float32),
        pltpu.VMEM_SHARED((NP,), jnp.float32),
    ],
)(_deg_body)


NBUF = 2


def _agg_body(hs, srcp, dstp, zeros2, aa_out, ab_out,
              sidx, didx, buf0, buf1, gs0, gs1, spa):
    bufs = [buf0, buf1]
    gsems = [gs0, gs1]
    c = lax.axis_index("c")
    s = lax.axis_index("s")
    base = c * BPC + s * ABPT
    pltpu.sync_copy(srcp.at[pl.ds(base, ABPT)], sidx)
    pltpu.sync_copy(dstp.at[pl.ds(base, ABPT)], didx)
    pltpu.sync_copy(zeros2, spa.at[pl.ds(s * RPT, RPT)])
    plsc.subcore_barrier()

    for k in range(NBUF):
        pltpu.async_copy(hs.at[sidx.at[k]], bufs[k], gsems[k])

    def body(j, carry):
        for k in range(NBUF):
            e = j * NBUF + k
            pltpu.make_async_copy(hs.at[sidx.at[e]], bufs[k], gsems[k]).wait()
            pltpu.sync_copy(bufs[k], spa.at[didx.at[e]], add=True)

            @pl.when(e + NBUF < ABPT)
            def _():
                pltpu.async_copy(hs.at[sidx.at[e + NBUF]], bufs[k], gsems[k])

        return carry

    lax.fori_loop(0, ABPT // NBUF, body, 0)
    plsc.subcore_barrier()

    @pl.when(c == 0)
    def _():
        pltpu.sync_copy(spa.at[pl.ds(s * RPT, RPT)], aa_out.at[pl.ds(s * RPT, RPT)])

    @pl.when(c == 1)
    def _():
        pltpu.sync_copy(spa.at[pl.ds(s * RPT, RPT)], ab_out.at[pl.ds(s * RPT, RPT)])


_agg_kernel = functools.partial(
    pl.kernel,
    out_type=(
        jax.ShapeDtypeStruct((NP, SL, 128), jnp.int16),
        jax.ShapeDtypeStruct((NP, SL, 128), jnp.int16),
    ),
    mesh=_sc_mesh,
    compiler_params=pltpu.CompilerParams(use_tc_tiling_on_sc=False),
    scratch_types=[
        pltpu.VMEM((ABPT, EB), jnp.int32),
        pltpu.VMEM((ABPT, EB), jnp.int32),
        pltpu.VMEM((EB, SL, 128), jnp.int16),
        pltpu.VMEM((EB, SL, 128), jnp.int16),
        pltpu.SemaphoreType.DMA,
        pltpu.SemaphoreType.DMA,
        pltpu.VMEM_SHARED((NP, SL, 128), jnp.int16),
    ],
)(_agg_body)


S1 = 2048.0
S2 = 8192.0


def _quant(h, scale):
    return jnp.clip(jnp.round(h * scale), -32767.0, 32767.0).astype(jnp.int16)


def _mm1_body(x_ref, w_ref, cs_ref, o_ref):
    h = jnp.dot(x_ref[...], w_ref[...], preferred_element_type=jnp.float32)
    hs = h * lax.rsqrt(cs_ref[...] + 1.0)
    o_ref[...] = _quant(hs, S1)


def _mid_body(aa_ref, ab_ref, ha_ref, cd_ref, cs_ref, b1_ref, w2_ref, o_ref):
    nd = lax.rsqrt(cd_ref[...] + 1.0)
    ns = lax.rsqrt(cs_ref[...] + 1.0)
    agg = (aa_ref[...].astype(jnp.float32) + ab_ref[...].astype(jnp.float32)
           + ha_ref[...].astype(jnp.float32)) * (1.0 / S1)
    h1 = jnp.maximum(agg * nd + b1_ref[...], 0.0)
    h2 = jnp.dot(h1, w2_ref[...], preferred_element_type=jnp.float32) * ns
    o_ref[...] = _quant(h2, S2)


def _out_body(aa_ref, ab_ref, ha_ref, cd_ref, b2_ref, o_ref):
    nd = lax.rsqrt(cd_ref[...] + 1.0)
    agg = (aa_ref[...].astype(jnp.float32) + ab_ref[...].astype(jnp.float32)
           + ha_ref[...].astype(jnp.float32)) * (1.0 / S2)
    o_ref[...] = jax.nn.sigmoid(agg * nd + b2_ref[...])


_row_spec = pl.BlockSpec((RB, D), lambda i: (i, 0))
_cnt_spec = pl.BlockSpec((RB, 1), lambda i: (i, 0))
_w_spec = pl.BlockSpec((D, D), lambda i: (0, 0))
_b_spec = pl.BlockSpec((1, D), lambda i: (0, 0))

_feat_shape = jax.ShapeDtypeStruct((NP, D), jnp.int16)

_mm1_kernel = pl.pallas_call(
    _mm1_body,
    grid=(NBLK,),
    in_specs=[_row_spec, _w_spec, _cnt_spec],
    out_specs=_row_spec,
    out_shape=_feat_shape,
)

_mid_kernel = pl.pallas_call(
    _mid_body,
    grid=(NBLK,),
    in_specs=[_row_spec, _row_spec, _row_spec,
              _cnt_spec, _cnt_spec, _b_spec, _w_spec],
    out_specs=_row_spec,
    out_shape=_feat_shape,
)

_out_kernel = pl.pallas_call(
    _out_body,
    grid=(NBLK,),
    in_specs=[_row_spec, _row_spec, _row_spec, _cnt_spec, _b_spec],
    out_specs=_row_spec,
    out_shape=jax.ShapeDtypeStruct((NP, D), jnp.float32),
)


def kernel(x, edge_index, W1, b1, W2, b2):
    src = edge_index[0].astype(jnp.int32)
    dst = edge_index[1].astype(jnp.int32)
    pad = N + (jnp.arange(EP - E, dtype=jnp.int32) % (NP - N))
    srcp = jnp.concatenate([src, pad]).reshape(EP // EB, EB)
    dstp = jnp.concatenate([dst, pad]).reshape(EP // EB, EB)
    xp = jnp.pad(x, ((0, NP - N), (0, 0)))
    zeros1 = jnp.zeros((NP,), jnp.float32)
    zeros2 = jnp.zeros((RPT, SL, 128), jnp.int16)

    cs, cd = _deg_kernel(srcp, dstp, zeros1)
    cs2 = cs.reshape(NP, 1)
    cd2 = cd.reshape(NP, 1)

    ha = _mm1_kernel(xp, W1, cs2)
    aa, ab = _agg_kernel(ha.reshape(NP, SL, 128), srcp, dstp, zeros2)
    ha2 = _mid_kernel(aa.reshape(NP, D), ab.reshape(NP, D), ha, cd2, cs2,
                      b1.reshape(1, D), W2)
    aa2, ab2 = _agg_kernel(ha2.reshape(NP, SL, 128), srcp, dstp, zeros2)
    out = _out_kernel(aa2.reshape(NP, D), ab2.reshape(NP, D), ha2, cd2,
                      b2.reshape(1, D))
    return out[:N]

# --- scband reference (transcript-rebuilt; emitter-appended) ---
"""Pipeline reference for scband-gcn-43173011260033 (READ-ONLY COPY).

The authoritative reference and input builder live on the scoring server;
editing this copy changes nothing except your own understanding.
"""

import jax, jax.numpy as jnp
import numpy as np

N = 10000
E = 160000
D_IN = 256
D_H = 256
D_OUT = 256


def setup_inputs(seed: int = 0) -> dict:
    key = jax.random.key(seed)
    k1, k2, k3, k4, k5, k6 = jax.random.split(key, 6)
    x = jax.random.normal(k1, (N, D_IN), dtype=jnp.float32)
    edge_index = jax.random.randint(k2, (2, E), 0, N, dtype=jnp.int64)
    # Glorot-style init for GraphConv weights, zero bias (DGL defaults)
    lim1 = (6.0 / (D_IN + D_H)) ** 0.5
    W1 = jax.random.uniform(k3, (D_IN, D_H), dtype=jnp.float32, minval=-lim1, maxval=lim1)
    b1 = jnp.zeros((D_H,), dtype=jnp.float32)
    lim2 = (6.0 / (D_H + D_OUT)) ** 0.5
    W2 = jax.random.uniform(k4, (D_H, D_OUT), dtype=jnp.float32, minval=-lim2, maxval=lim2)
    b2 = jnp.zeros((D_OUT,), dtype=jnp.float32)
    return {"x": x, "edge_index": edge_index, "W1": W1, "b1": b1, "W2": W2, "b2": b2}


def _gcn_layer(h, src, dst, norm_src, norm_dst, W, b):
    # DGL GraphConv, norm='both': D^{-1/2} A D^{-1/2} X W + b
    h = h @ W
    m = h[src] * norm_src[src][:, None]
    agg = jax.ops.segment_sum(m, dst, num_segments=N)
    return agg * norm_dst[:, None] + b


def reference(x, edge_index, W1, b1, W2, b2):
    src = edge_index[0]
    dst = edge_index[1]
    # dgl.add_self_loop
    loop = jnp.arange(N, dtype=src.dtype)
    src2 = jnp.concatenate([src, loop])
    dst2 = jnp.concatenate([dst, loop])
    out_deg = jnp.bincount(src2, length=N).astype(jnp.float32)
    in_deg = jnp.bincount(dst2, length=N).astype(jnp.float32)
    norm_src = jnp.where(out_deg > 0, out_deg ** -0.5, 0.0)
    norm_dst = jnp.where(in_deg > 0, in_deg ** -0.5, 0.0)
    h = _gcn_layer(x, src2, dst2, norm_src, norm_dst, W1, b1)
    h = jax.nn.relu(h)
    h = _gcn_layer(h, src2, dst2, norm_src, norm_dst, W2, b2)
    return jax.nn.sigmoid(h)

if __name__ == "__main__":
    import jax
    _d = setup_inputs()
    print(jax.jit(kernel)(*tuple(_d.values())))

</pallas_src>

<mosaic_0001>
#map = affine_map<(d0, d1) -> (0, 0)>
#map1 = affine_map<(d0, d1) -> (0)>
module attributes {stable_mosaic.version = 14 : i64} {
  func.func @_deg_body(%arg0: i32, %arg1: i32, %arg2: memref<2048x80xi32, #tpu.memory_space<hbm>>, %arg3: memref<2048x80xi32, #tpu.memory_space<hbm>>, %arg4: memref<10240xf32, #tpu.memory_space<hbm>>, %arg5: memref<10240xf32, #tpu.memory_space<hbm>>, %arg6: memref<10240xf32, #tpu.memory_space<hbm>>, %arg7: memref<128x80xi32, #tpu.memory_space<vmem>>, %arg8: memref<80xf32, #tpu.memory_space<vmem>>, %arg9: memref<10240xf32, #tpu.memory_space<vmem_shared>>) attributes {dimension_semantics = [#tpu.dimension_semantics<core_parallel>, #tpu.dimension_semantics<subcore_parallel>], iteration_bounds = array<i64: 2, 16>, scalar_prefetch = 0 : i64, scratch_operands = 3 : i64, tpu.core_type = #tpu.core_type<sc_vector_subcore>, window_params = [{transform_indices = #map}, {transform_indices = #map}, {transform_indices = #map1}, {transform_indices = #map1}, {transform_indices = #map1}]} {
    %broadcast_in_dim3A = arith.constant 1.000000e+00 : f32
    %broadcast_in_dim3A_0 = vector.broadcast %broadcast_in_dim3A : f32 to vector<16xf32>
    %swap3A = arith.constant 0 : index
    %swap3A_1 = tpu.vector_load %arg8[%swap3A] {strides = array<i32>} : memref<80xf32, #tpu.memory_space<vmem>>, vector<16xf32>,
    %swap3A_2 = vector.shape_cast %swap3A_1 : vector<16xf32> to vector<16xf32>
    %swap3A_3 = vector.shape_cast %broadcast_in_dim3A_0 : vector<16xf32> to vector<16xf32>
    tpu.vector_store %arg8[%swap3A], %swap3A_3 {strides = array<i32>} : memref<80xf32, #tpu.memory_space<vmem>>, vector<16xf32>,
    %broadcast_in_dim3A_4 = arith.constant 1.000000e+00 : f32
    %broadcast_in_dim3A_5 = vector.broadcast %broadcast_in_dim3A_4 : f32 to vector<16xf32>
    %swap3A_6 = arith.constant 16 : index
    %swap3A_7 = tpu.vector_load %arg8[%swap3A_6] {strides = array<i32>} : memref<80xf32, #tpu.memory_space<vmem>>, vector<16xf32>,
    %swap3A_8 = vector.shape_cast %swap3A_7 : vector<16xf32> to vector<16xf32>
    %swap3A_9 = vector.shape_cast %broadcast_in_dim3A_5 : vector<16xf32> to vector<16xf32>
    tpu.vector_store %arg8[%swap3A_6], %swap3A_9 {strides = array<i32>} : memref<80xf32, #tpu.memory_space<vmem>>, vector<16xf32>,
    %broadcast_in_dim3A_10 = arith.constant 1.000000e+00 : f32
    %broadcast_in_dim3A_11 = vector.broadcast %broadcast_in_dim3A_10 : f32 to vector<16xf32>
    %swap3A_12 = arith.constant 32 : index
    %swap3A_13 = tpu.vector_load %arg8[%swap3A_12] {strides = array<i32>} : memref<80xf32, #tpu.memory_space<vmem>>, vector<16xf32>,
    %swap3A_14 = vector.shape_cast %swap3A_13 : vector<16xf32> to vector<16xf32>
    %swap3A_15 = vector.shape_cast %broadcast_in_dim3A_11 : vector<16xf32> to vector<16xf32>
    tpu.vector_store %arg8[%swap3A_12], %swap3A_15 {strides = array<i32>} : memref<80xf32, #tpu.memory_space<vmem>>, vector<16xf32>,
    %broadcast_in_dim3A_16 = arith.constant 1.000000e+00 : f32
    %broadcast_in_dim3A_17 = vector.broadcast %broadcast_in_dim3A_16 : f32 to vector<16xf32>
    %swap3A_18 = arith.constant 48 : index
    %swap3A_19 = tpu.vector_load %arg8[%swap3A_18] {strides = array<i32>} : memref<80xf32, #tpu.memory_space<vmem>>, vector<16xf32>,
    %swap3A_20 = vector.shape_cast %swap3A_19 : vector<16xf32> to vector<16xf32>
    %swap3A_21 = vector.shape_cast %broadcast_in_dim3A_17 : vector<16xf32> to vector<16xf32>
    tpu.vector_store %arg8[%swap3A_18], %swap3A_21 {strides = array<i32>} : memref<80xf32, #tpu.memory_space<vmem>>, vector<16xf32>,
    %broadcast_in_dim3A_22 = arith.constant 1.000000e+00 : f32
    %broadcast_in_dim3A_23 = vector.broadcast %broadcast_in_dim3A_22 : f32 to vector<16xf32>
    %swap3A_24 = arith.constant 64 : index
    %swap3A_25 = tpu.vector_load %arg8[%swap3A_24] {strides = array<i32>} : memref<80xf32, #tpu.memory_space<vmem>>, vector<16xf32>,
    %swap3A_26 = vector.shape_cast %swap3A_25 : vector<16xf32> to vector<16xf32>
    %swap3A_27 = vector.shape_cast %broadcast_in_dim3A_23 : vector<16xf32> to vector<16xf32>
    tpu.vector_store %arg8[%swap3A_24], %swap3A_27 {strides = array<i32>} : memref<80xf32, #tpu.memory_space<vmem>>, vector<16xf32>,
    %mul3A = arith.constant 640 : i32
    %mul3A_28 = arith.muli %arg1, %mul3A : i32
    %mul3A_29 = arith.constant 640 : i32
    %mul3A_30 = arith.muli %arg1, %mul3A_29 : i32
    "tpu.region"() ({
      %run_scoped3A = tpu.sem_alloc : memref<!tpu.dma_semaphore, #tpu.memory_space<semaphore_mem>>
      %dma_start3A = tpu.memref_slice %arg9[%mul3A_30] : memref<10240xf32, #tpu.memory_space<vmem_shared>> -> memref<640xf32, #tpu.memory_space<vmem_shared>>
      %dma_start3A_38 = tpu.memref_slice %arg4[%mul3A_28] : memref<10240xf32, #tpu.memory_space<hbm>> -> memref<640xf32, #tpu.memory_space<hbm>>
      tpu.enqueue_dma source(%dma_start3A_38 : memref<640xf32, #tpu.memory_space<hbm>>) target(%dma_start3A : memref<640xf32, #tpu.memory_space<vmem_shared>>) target_semaphore(%run_scoped3A : memref<!tpu.dma_semaphore, #tpu.memory_space<semaphore_mem>>)
      %dma_wait3A = tpu.memref_slice %arg9[%mul3A_30] : memref<10240xf32, #tpu.memory_space<vmem_shared>> -> memref<640xf32, #tpu.memory_space<vmem_shared>>
      %dma_wait3A_39 = tpu.memref_slice %arg4[%mul3A_28] : memref<10240xf32, #tpu.memory_space<hbm>> -> memref<640xf32, #tpu.memory_space<hbm>>
      tpu.wait_dma2 semaphore(%run_scoped3A : memref<!tpu.dma_semaphore, #tpu.memory_space<semaphore_mem>>) src(%dma_wait3A_39 : memref<640xf32, #tpu.memory_space<hbm>>) dst(%dma_wait3A : memref<640xf32, #tpu.memory_space<vmem_shared>>)
      tpu.yield
    }) : () -> ()
    %barrier3A = arith.constant 0 : index
    tpu.barrier barrier_id(%barrier3A)
    %eq3A = arith.constant 0 : i32
    %eq3A_31 = arith.cmpi eq, %arg0, %eq3A : i32
    %convert_element_type3A = arith.extui %eq3A_31 : i1 to i32
    %cond3A = arith.constant 0 : i32
    %cond3A_32 = arith.cmpi ne, %convert_element_type3A, %cond3A : i32
    scf.if %cond3A_32 {
      %mul3A_38 = arith.constant 128 : i32
      %mul3A_39 = arith.muli %arg1, %mul3A_38 : i32
      "tpu.region"() ({
        %run_scoped3A = tpu.sem_alloc : memref<!tpu.dma_semaphore, #tpu.memory_space<semaphore_mem>>
        %dma_start3A = arith.constant 0 : i32
        %dma_start3A_50 = tpu.memref_slice %arg2[%mul3A_39, %dma_start3A] : memref<2048x80xi32, #tpu.memory_space<hbm>> -> memref<128x80xi32, #tpu.memory_space<hbm>>
        %dma_start3A_51 = arith.constant 0 : i32
        %dma_start3A_52 = tpu.memref_slice %arg2[%mul3A_39, %dma_start3A_51] : memref<2048x80xi32, #tpu.memory_space<hbm>> -> memref<128x80xi32, #tpu.memory_space<hbm>>
        tpu.enqueue_dma source(%dma_start3A_52 : memref<128x80xi32, #tpu.memory_space<hbm>>) target(%arg7 : memref<128x80xi32, #tpu.memory_space<vmem>>) target_semaphore(%run_scoped3A : memref<!tpu.dma_semaphore, #tpu.memory_space<semaphore_mem>>)
        %dma_wait3A = arith.constant 0 : i32
        %dma_wait3A_53 = tpu.memref_slice %arg2[%mul3A_39, %dma_wait3A] : memref<2048x80xi32, #tpu.memory_space<hbm>> -> memref<128x80xi32, #tpu.memory_space<hbm>>
        %dma_wait3A_54 = arith.constant 0 : i32
        %dma_wait3A_55 = tpu.memref_slice %arg2[%mul3A_39, %dma_wait3A_54] : memref<2048x80xi32, #tpu.memory_space<hbm>> -> memref<128x80xi32, #tpu.memory_space<hbm>>
        tpu.wait_dma2 semaphore(%run_scoped3A : memref<!tpu.dma_semaphore, #tpu.memory_space<semaphore_mem>>) src(%dma_wait3A_55 : memref<128x80xi32, #tpu.memory_space<hbm>>) dst(%arg7 : memref<128x80xi32, #tpu.memory_space<vmem>>)
        tpu.yield
      }) : () -> ()
      %scan3A = arith.constant 0 : i32
      %scan3A_40 = arith.constant 0 : i32
      %scan3A_41 = arith.constant 128 : i32
      %scan3A_42 = arith.addi %scan3A_40, %scan3A_41 : i32
      %scan3A_43 = arith.constant 1 : i32
      scf.for %scan3A_50 = %scan3A_40 to %scan3A_42 step %scan3A_43  : i32 {
        "tpu.region"() ({
          %run_scoped3A = tpu.sem_alloc : memref<!tpu.dma_semaphore, #tpu.memory_space<semaphore_mem>>
          %dma_start3A = arith.constant 0 : i32
          %dma_start3A_51 = tpu.memref_slice %arg7[%scan3A_50, %dma_start3A] : memref<128x80xi32, #tpu.memory_space<vmem>> -> memref<1x80xi32, #tpu.memory_space<vmem>>
          %dma_start3A_52 = tpu.memref_squeeze %dma_start3A_51 : memref<1x80xi32, #tpu.memory_space<vmem>> -> memref<80xi32, #tpu.memory_space<vmem>>
          %dma_start3A_53 = arith.constant 0 : i32
          %dma_start3A_54 = tpu.memref_slice %arg9[%dma_start3A_53] : memref<10240xf32, #tpu.memory_space<vmem_shared>> -> memref<10240xf32, #tpu.memory_space<vmem_shared>>
          tpu.enqueue_indirect_dma source(%arg8 : memref<80xf32, #tpu.memory_space<vmem>>) target(%dma_start3A_54 : memref<10240xf32, #tpu.memory_space<vmem_shared>>) offsets(%dma_start3A_52 : memref<80xi32, #tpu.memory_space<vmem>>) semaphore(%run_scoped3A : memref<!tpu.dma_semaphore, #tpu.memory_space<semaphore_mem>>) {add = true}
          %dma_wait3A = arith.constant 0 : i32
          %dma_wait3A_55 = tpu.memref_slice %arg7[%scan3A_50, %dma_wait3A] : memref<128x80xi32, #tpu.memory_space<vmem>> -> memref<1x80xi32, #tpu.memory_space<vmem>>
          %dma_wait3A_56 = tpu.memref_squeeze %dma_wait3A_55 : memref<1x80xi32, #tpu.memory_space<vmem>> -> memref<80xi32, #tpu.memory_space<vmem>>
          %dma_wait3A_57 = arith.constant 0 : i32
          %dma_wait3A_58 = tpu.memref_slice %arg9[%dma_wait3A_57] : memref<10240xf32, #tpu.memory_space<vmem_shared>> -> memref<10240xf32, #tpu.memory_space<vmem_shared>>
          tpu.wait_indirect_dma semaphore(%run_scoped3A : memref<!tpu.dma_semaphore, #tpu.memory_space<semaphore_mem>>) src(%arg8 : memref<80xf32, #tpu.memory_space<vmem>>) dst(%dma_wait3A_58 : memref<10240xf32, #tpu.memory_space<vmem_shared>>)
          tpu.yield
        }) : () -> ()
      }
      %scan3A_44 = arith.constant 128 : i32
      %barrier3A_45 = arith.constant 0 : index
      tpu.barrier barrier_id(%barrier3A_45)
      %mul3A_46 = arith.constant 640 : i32
      %mul3A_47 = arith.muli %arg1, %mul3A_46 : i32
      %mul3A_48 = arith.constant 640 : i32
      %mul3A_49 = arith.muli %arg1, %mul3A_48 : i32
      "tpu.region"() ({
        %run_scoped3A = tpu.sem_alloc : memref<!tpu.dma_semaphore, #tpu.memory_space<semaphore_mem>>
        %dma_start3A = tpu.memref_slice %arg5[%mul3A_49] : memref<10240xf32, #tpu.memory_space<hbm>> -> memref<640xf32, #tpu.memory_space<hbm>>
        %dma_start3A_50 = tpu.memref_slice %arg9[%mul3A_47] : memref<10240xf32, #tpu.memory_space<vmem_shared>> -> memref<640xf32, #tpu.memory_space<vmem_shared>>
        tpu.enqueue_dma source(%dma_start3A_50 : memref<640xf32, #tpu.memory_space<vmem_shared>>) target(%dma_start3A : memref<640xf32, #tpu.memory_space<hbm>>) target_semaphore(%run_scoped3A : memref<!tpu.dma_semaphore, #tpu.memory_space<semaphore_mem>>)
        %dma_wait3A = tpu.memref_slice %arg5[%mul3A_49] : memref<10240xf32, #tpu.memory_space<hbm>> -> memref<640xf32, #tpu.memory_space<hbm>>
        %dma_wait3A_51 = tpu.memref_slice %arg9[%mul3A_47] : memref<10240xf32, #tpu.memory_space<vmem_shared>> -> memref<640xf32, #tpu.memory_space<vmem_shared>>
        tpu.wait_dma2 semaphore(%run_scoped3A : memref<!tpu.dma_semaphore, #tpu.memory_space<semaphore_mem>>) src(%dma_wait3A_51 : memref<640xf32, #tpu.memory_space<vmem_shared>>) dst(%dma_wait3A : memref<640xf32, #tpu.memory_space<hbm>>)
        tpu.yield
      }) : () -> ()
    } else {
    }
    %eq3A_33 = arith.constant 1 : i32
    %eq3A_34 = arith.cmpi eq, %arg0, %eq3A_33 : i32
    %convert_element_type3A_35 = arith.extui %eq3A_34 : i1 to i32
    %cond3A_36 = arith.constant 0 : i32
    %cond3A_37 = arith.cmpi ne, %convert_element_type3A_35, %cond3A_36 : i32
    scf.if %cond3A_37 {
      %mul3A_38 = arith.constant 128 : i32
      %mul3A_39 = arith.muli %arg1, %mul3A_38 : i32
      "tpu.region"() ({
        %run_scoped3A = tpu.sem_alloc : memref<!tpu.dma_semaphore, #tpu.memory_space<semaphore_mem>>
        %dma_start3A = arith.constant 0 : i32
        %dma_start3A_50 = tpu.memref_slice %arg3[%mul3A_39, %dma_start3A] : memref<2048x80xi32, #tpu.memory_space<hbm>> -> memref<128x80xi32, #tpu.memory_space<hbm>>
        %dma_start3A_51 = arith.constant 0 : i32
        %dma_start3A_52 = tpu.memref_slice %arg3[%mul3A_39, %dma_start3A_51] : memref<2048x80xi32, #tpu.memory_space<hbm>> -> memref<128x80xi32, #tpu.memory_space<hbm>>
        tpu.enqueue_dma source(%dma_start3A_52 : memref<128x80xi32, #tpu.memory_space<hbm>>) target(%arg7 : memref<128x80xi32, #tpu.memory_space<vmem>>) target_semaphore(%run_scoped3A : memref<!tpu.dma_semaphore, #tpu.memory_space<semaphore_mem>>)
        %dma_wait3A = arith.constant 0 : i32
        %dma_wait3A_53 = tpu.memref_slice %arg3[%mul3A_39, %dma_wait3A] : memref<2048x80xi32, #tpu.memory_space<hbm>> -> memref<128x80xi32, #tpu.memory_space<hbm>>
        %dma_wait3A_54 = arith.constant 0 : i32
        %dma_wait3A_55 = tpu.memref_slice %arg3[%mul3A_39, %dma_wait3A_54] : memref<2048x80xi32, #tpu.memory_space<hbm>> -> memref<128x80xi32, #tpu.memory_space<hbm>>
        tpu.wait_dma2 semaphore(%run_scoped3A : memref<!tpu.dma_semaphore, #tpu.memory_space<semaphore_mem>>) src(%dma_wait3A_55 : memref<128x80xi32, #tpu.memory_space<hbm>>) dst(%arg7 : memref<128x80xi32, #tpu.memory_space<vmem>>)
        tpu.yield
      }) : () -> ()
      %scan3A = arith.constant 0 : i32
      %scan3A_40 = arith.constant 0 : i32
      %scan3A_41 = arith.constant 128 : i32
      %scan3A_42 = arith.addi %scan3A_40, %scan3A_41 : i32
      %scan3A_43 = arith.constant 1 : i32
      scf.for %scan3A_50 = %scan3A_40 to %scan3A_42 step %scan3A_43  : i32 {
        "tpu.region"() ({
          %run_scoped3A = tpu.sem_alloc : memref<!tpu.dma_semaphore, #tpu.memory_space<semaphore_mem>>
          %dma_start3A = arith.constant 0 : i32
          %dma_start3A_51 = tpu.memref_slice %arg7[%scan3A_50, %dma_start3A] : memref<128x80xi32, #tpu.memory_space<vmem>> -> memref<1x80xi32, #tpu.memory_space<vmem>>
          %dma_start3A_52 = tpu.memref_squeeze %dma_start3A_51 : memref<1x80xi32, #tpu.memory_space<vmem>> -> memref<80xi32, #tpu.memory_space<vmem>>
          %dma_start3A_53 = arith.constant 0 : i32
          %dma_start3A_54 = tpu.memref_slice %arg9[%dma_start3A_53] : memref<10240xf32, #tpu.memory_space<vmem_shared>> -> memref<10240xf32, #tpu.memory_space<vmem_shared>>
          tpu.enqueue_indirect_dma source(%arg8 : memref<80xf32, #tpu.memory_space<vmem>>) target(%dma_start3A_54 : memref<10240xf32, #tpu.memory_space<vmem_shared>>) offsets(%dma_start3A_52 : memref<80xi32, #tpu.memory_space<vmem>>) semaphore(%run_scoped3A : memref<!tpu.dma_semaphore, #tpu.memory_space<semaphore_mem>>) {add = true}
          %dma_wait3A = arith.constant 0 : i32
          %dma_wait3A_55 = tpu.memref_slice %arg7[%scan3A_50, %dma_wait3A] : memref<128x80xi32, #tpu.memory_space<vmem>> -> memref<1x80xi32, #tpu.memory_space<vmem>>
          %dma_wait3A_56 = tpu.memref_squeeze %dma_wait3A_55 : memref<1x80xi32, #tpu.memory_space<vmem>> -> memref<80xi32, #tpu.memory_space<vmem>>
          %dma_wait3A_57 = arith.constant 0 : i32
          %dma_wait3A_58 = tpu.memref_slice %arg9[%dma_wait3A_57] : memref<10240xf32, #tpu.memory_space<vmem_shared>> -> memref<10240xf32, #tpu.memory_space<vmem_shared>>
          tpu.wait_indirect_dma semaphore(%run_scoped3A : memref<!tpu.dma_semaphore, #tpu.memory_space<semaphore_mem>>) src(%arg8 : memref<80xf32, #tpu.memory_space<vmem>>) dst(%dma_wait3A_58 : memref<10240xf32, #tpu.memory_space<vmem_shared>>)
          tpu.yield
        }) : () -> ()
      }
      %scan3A_44 = arith.constant 128 : i32
      %barrier3A_45 = arith.constant 0 : index
      tpu.barrier barrier_id(%barrier3A_45)
      %mul3A_46 = arith.constant 640 : i32
      %mul3A_47 = arith.muli %arg1, %mul3A_46 : i32
      %mul3A_48 = arith.constant 640 : i32
      %mul3A_49 = arith.muli %arg1, %mul3A_48 : i32
      "tpu.region"() ({
        %run_scoped3A = tpu.sem_alloc : memref<!tpu.dma_semaphore, #tpu.memory_space<semaphore_mem>>
        %dma_start3A = tpu.memref_slice %arg6[%mul3A_49] : memref<10240xf32, #tpu.memory_space<hbm>> -> memref<640xf32, #tpu.memory_space<hbm>>
        %dma_start3A_50 = tpu.memref_slice %arg9[%mul3A_47] : memref<10240xf32, #tpu.memory_space<vmem_shared>> -> memref<640xf32, #tpu.memory_space<vmem_shared>>
        tpu.enqueue_dma source(%dma_start3A_50 : memref<640xf32, #tpu.memory_space<vmem_shared>>) target(%dma_start3A : memref<640xf32, #tpu.memory_space<hbm>>) target_semaphore(%run_scoped3A : memref<!tpu.dma_semaphore, #tpu.memory_space<semaphore_mem>>)
        %dma_wait3A = tpu.memref_slice %arg6[%mul3A_49] : memref<10240xf32, #tpu.memory_space<hbm>> -> memref<640xf32, #tpu.memory_space<hbm>>
        %dma_wait3A_51 = tpu.memref_slice %arg9[%mul3A_47] : memref<10240xf32, #tpu.memory_space<vmem_shared>> -> memref<640xf32, #tpu.memory_space<vmem_shared>>
        tpu.wait_dma2 semaphore(%run_scoped3A : memref<!tpu.dma_semaphore, #tpu.memory_space<semaphore_mem>>) src(%dma_wait3A_51 : memref<640xf32, #tpu.memory_space<vmem_shared>>) dst(%dma_wait3A : memref<640xf32, #tpu.memory_space<hbm>>)
        tpu.yield
      }) : () -> ()
    } else {
    }
    return
  }
}

#map = affine_map<(d0, d1) -> (0, 0, 0)>
#map1 = affine_map<(d0, d1) -> (0, 0)>
module attributes {stable_mosaic.version = 14 : i64} {
  func.func @_agg_body(%arg0: i32, %arg1: i32, %arg2: memref<10240x2x128xi16, #tpu.memory_space<hbm>>, %arg3: memref<2048x80xi32, #tpu.memory_space<hbm>>, %arg4: memref<2048x80xi32, #tpu.memory_space<hbm>>, %arg5: memref<640x2x128xi16, #tpu.memory_space<hbm>>, %arg6: memref<10240x2x128xi16, #tpu.memory_space<hbm>>, %arg7: memref<10240x2x128xi16, #tpu.memory_space<hbm>>, %arg8: memref<64x80xi32, #tpu.memory_space<vmem>>, %arg9: memref<64x80xi32, #tpu.memory_space<vmem>>, %arg10: memref<80x2x128xi16, #tpu.memory_space<vmem>>, %arg11: memref<80x2x128xi16, #tpu.memory_space<vmem>>, %arg12: memref<!tpu.dma_semaphore, #tpu.memory_space<semaphore_mem>>, %arg13: memref<!tpu.dma_semaphore, #tpu.memory_space<semaphore_mem>>, %arg14: memref<10240x2x128xi16, #tpu.memory_space<vmem_shared>>) attributes {dimension_semantics = [#tpu.dimension_semantics<core_parallel>, #tpu.dimension_semantics<subcore_parallel>], iteration_bounds = array<i64: 2, 16>, scalar_prefetch = 0 : i64, scratch_operands = 7 : i64, tpu.core_type = #tpu.core_type<sc_vector_subcore>, window_params = [{transform_indices = #map}, {transform_indices = #map1}, {transform_indices = #map1}, {transform_indices = #map}, {transform_indices = #map}, {transform_indices = #map}]} {
    %mul3A = arith.constant 1024 : i32
    %mul3A_0 = arith.muli %arg0, %mul3A : i32
    %mul3A_1 = arith.constant 64 : i32
    %mul3A_2 = arith.muli %arg1, %mul3A_1 : i32
    %add3A = arith.addi %mul3A_0, %mul3A_2 : i32
    "tpu.region"() ({
      %run_scoped3A = tpu.sem_alloc : memref<!tpu.dma_semaphore, #tpu.memory_space<semaphore_mem>>
      %dma_start3A_33 = arith.constant 0 : i32
      %dma_start3A_34 = tpu.memref_slice %arg3[%add3A, %dma_start3A_33] : memref<2048x80xi32, #tpu.memory_space<hbm>> -> memref<64x80xi32, #tpu.memory_space<hbm>>
      %dma_start3A_35 = arith.constant 0 : i32
      %dma_start3A_36 = tpu.memref_slice %arg3[%add3A, %dma_start3A_35] : memref<2048x80xi32, #tpu.memory_space<hbm>> -> memref<64x80xi32, #tpu.memory_space<hbm>>
      tpu.enqueue_dma source(%dma_start3A_36 : memref<64x80xi32, #tpu.memory_space<hbm>>) target(%arg8 : memref<64x80xi32, #tpu.memory_space<vmem>>) target_semaphore(%run_scoped3A : memref<!tpu.dma_semaphore, #tpu.memory_space<semaphore_mem>>)
      %dma_wait3A = arith.constant 0 : i32
      %dma_wait3A_37 = tpu.memref_slice %arg3[%add3A, %dma_wait3A] : memref<2048x80xi32, #tpu.memory_space<hbm>> -> memref<64x80xi32, #tpu.memory_space<hbm>>
      %dma_wait3A_38 = arith.constant 0 : i32
      %dma_wait3A_39 = tpu.memref_slice %arg3[%add3A, %dma_wait3A_38] : memref<2048x80xi32, #tpu.memory_space<hbm>> -> memref<64x80xi32, #tpu.memory_space<hbm>>
      tpu.wait_dma2 semaphore(%run_scoped3A : memref<!tpu.dma_semaphore, #tpu.memory_space<semaphore_mem>>) src(%dma_wait3A_39 : memref<64x80xi32, #tpu.memory_space<hbm>>) dst(%arg8 : memref<64x80xi32, #tpu.memory_space<vmem>>)
      tpu.yield
    }) : () -> ()
    "tpu.region"() ({
      %run_scoped3A = tpu.sem_alloc : memref<!tpu.dma_semaphore, #tpu.memory_space<semaphore_mem>>
      %dma_start3A_33 = arith.constant 0 : i32
      %dma_start3A_34 = tpu.memref_slice %arg4[%add3A, %dma_start3A_33] : memref<2048x80xi32, #tpu.memory_space<hbm>> -> memref<64x80xi32, #tpu.memory_space<hbm>>
      %dma_start3A_35 = arith.constant 0 : i32
      %dma_start3A_36 = tpu.memref_slice %arg4[%add3A, %dma_start3A_35] : memref<2048x80xi32, #tpu.memory_space<hbm>> -> memref<64x80xi32, #tpu.memory_space<hbm>>
      tpu.enqueue_dma source(%dma_start3A_36 : memref<64x80xi32, #tpu.memory_space<hbm>>) target(%arg9 : memref<64x80xi32, #tpu.memory_space<vmem>>) target_semaphore(%run_scoped3A : memref<!tpu.dma_semaphore, #tpu.memory_space<semaphore_mem>>)
      %dma_wait3A = arith.constant 0 : i32
      %dma_wait3A_37 = tpu.memref_slice %arg4[%add3A, %dma_wait3A] : memref<2048x80xi32, #tpu.memory_space<hbm>> -> memref<64x80xi32, #tpu.memory_space<hbm>>
      %dma_wait3A_38 = arith.constant 0 : i32
      %dma_wait3A_39 = tpu.memref_slice %arg4[%add3A, %dma_wait3A_38] : memref<2048x80xi32, #tpu.memory_space<hbm>> -> memref<64x80xi32, #tpu.memory_space<hbm>>
      tpu.wait_dma2 semaphore(%run_scoped3A : memref<!tpu.dma_semaphore, #tpu.memory_space<semaphore_mem>>) src(%dma_wait3A_39 : memref<64x80xi32, #tpu.memory_space<hbm>>) dst(%arg9 : memref<64x80xi32, #tpu.memory_space<vmem>>)
      tpu.yield
    }) : () -> ()
    %mul3A_3 = arith.constant 640 : i32
    %mul3A_4 = arith.muli %arg1, %mul3A_3 : i32
    "tpu.region"() ({
      %run_scoped3A = tpu.sem_alloc : memref<!tpu.dma_semaphore, #tpu.memory_space<semaphore_mem>>
      %dma_start3A_33 = arith.constant 0 : i32
      %dma_start3A_34 = arith.constant 0 : i32
      %dma_start3A_35 = tpu.memref_slice %arg14[%mul3A_4, %dma_start3A_33, %dma_start3A_34] : memref<10240x2x128xi16, #tpu.memory_space<vmem_shared>> -> memref<640x2x128xi16, #tpu.memory_space<vmem_shared>>
      tpu.enqueue_dma source(%arg5 : memref<640x2x128xi16, #tpu.memory_space<hbm>>) target(%dma_start3A_35 : memref<640x2x128xi16, #tpu.memory_space<vmem_shared>>) target_semaphore(%run_scoped3A : memref<!tpu.dma_semaphore, #tpu.memory_space<semaphore_mem>>)
      %dma_wait3A = arith.constant 0 : i32
      %dma_wait3A_36 = arith.constant 0 : i32
      %dma_wait3A_37 = tpu.memref_slice %arg14[%mul3A_4, %dma_wait3A, %dma_wait3A_36] : memref<10240x2x128xi16, #tpu.memory_space<vmem_shared>> -> memref<640x2x128xi16, #tpu.memory_space<vmem_shared>>
      tpu.wait_dma2 semaphore(%run_scoped3A : memref<!tpu.dma_semaphore, #tpu.memory_space<semaphore_mem>>) src(%arg5 : memref<640x2x128xi16, #tpu.memory_space<hbm>>) dst(%dma_wait3A_37 : memref<640x2x128xi16, #tpu.memory_space<vmem_shared>>)
      tpu.yield
    }) : () -> ()
    %barrier3A = arith.constant 0 : index
    tpu.barrier barrier_id(%barrier3A)
    %dma_start3A = arith.constant 0 : i32
    %dma_start3A_5 = arith.constant 0 : i32
    %dma_start3A_6 = tpu.memref_slice %arg8[%dma_start3A, %dma_start3A_5] : memref<64x80xi32, #tpu.memory_space<vmem>> -> memref<1x80xi32, #tpu.memory_space<vmem>>
    %dma_start3A_7 = tpu.memref_squeeze %dma_start3A_6 : memref<1x80xi32, #tpu.memory_space<vmem>> -> memref<80xi32, #tpu.memory_space<vmem>>
    %dma_start3A_8 = arith.constant 0 : i32
    %dma_start3A_9 = arith.constant 0 : i32
    %dma_start3A_10 = arith.constant 0 : i32
    %dma_start3A_11 = tpu.memref_slice %arg2[%dma_start3A_8, %dma_start3A_9, %dma_start3A_10] : memref<10240x2x128xi16, #tpu.memory_space<hbm>> -> memref<10240x2x128xi16, #tpu.memory_space<hbm>>
    tpu.enqueue_indirect_dma source(%dma_start3A_11 : memref<10240x2x128xi16, #tpu.memory_space<hbm>>) target(%arg10 : memref<80x2x128xi16, #tpu.memory_space<vmem>>) offsets(%dma_start3A_7 : memref<80xi32, #tpu.memory_space<vmem>>) semaphore(%arg12 : memref<!tpu.dma_semaphore, #tpu.memory_space<semaphore_mem>>)
    %dma_start3A_12 = arith.constant 1 : i32
    %dma_start3A_13 = arith.constant 0 : i32
    %dma_start3A_14 = tpu.memref_slice %arg8[%dma_start3A_12, %dma_start3A_13] : memref<64x80xi32, #tpu.memory_space<vmem>> -> memref<1x80xi32, #tpu.memory_space<vmem>>
    %dma_start3A_15 = tpu.memref_squeeze %dma_start3A_14 : memref<1x80xi32, #tpu.memory_space<vmem>> -> memref<80xi32, #tpu.memory_space<vmem>>
    %dma_start3A_16 = arith.constant 0 : i32
    %dma_start3A_17 = arith.constant 0 : i32
    %dma_start3A_18 = arith.constant 0 : i32
    %dma_start3A_19 = tpu.memref_slice %arg2[%dma_start3A_16, %dma_start3A_17, %dma_start3A_18] : memref<10240x2x128xi16, #tpu.memory_space<hbm>> -> memref<10240x2x128xi16, #tpu.memory_space<hbm>>
    tpu.enqueue_indirect_dma source(%dma_start3A_19 : memref<10240x2x128xi16, #tpu.memory_space<hbm>>) target(%arg11 : memref<80x2x128xi16, #tpu.memory_space<vmem>>) offsets(%dma_start3A_15 : memref<80xi32, #tpu.memory_space<vmem>>) semaphore(%arg13 : memref<!tpu.dma_semaphore, #tpu.memory_space<semaphore_mem>>)
    %scan3A = arith.constant 0 : i32
    %scan3A_20 = arith.constant 0 : i32
    %scan3A_21 = arith.constant 32 : i32
    %scan3A_22 = arith.addi %scan3A_20, %scan3A_21 : i32
    %scan3A_23 = arith.constant 1 : i32
    scf.for %scan3A_33 = %scan3A_20 to %scan3A_22 step %scan3A_23  : i32 {
      %mul3A_34 = arith.constant 2 : i32
      %mul3A_35 = arith.muli %scan3A_33, %mul3A_34 : i32
      %add3A_36 = arith.constant 0 : i32
      %add3A_37 = arith.addi %mul3A_35, %add3A_36 : i32
      %dma_wait3A = arith.constant 0 : i32
      %dma_wait3A_38 = tpu.memref_slice %arg8[%add3A_37, %dma_wait3A] : memref<64x80xi32, #tpu.memory_space<vmem>> -> memref<1x80xi32, #tpu.memory_space<vmem>>
      %dma_wait3A_39 = tpu.memref_squeeze %dma_wait3A_38 : memref<1x80xi32, #tpu.memory_space<vmem>> -> memref<80xi32, #tpu.memory_space<vmem>>
      %dma_wait3A_40 = arith.constant 0 : i32
      %dma_wait3A_41 = arith.constant 0 : i32
      %dma_wait3A_42 = arith.constant 0 : i32
      %dma_wait3A_43 = tpu.memref_slice %arg2[%dma_wait3A_40, %dma_wait3A_41, %dma_wait3A_42] : memref<10240x2x128xi16, #tpu.memory_space<hbm>> -> memref<10240x2x128xi16, #tpu.memory_space<hbm>>
      tpu.wait_indirect_dma semaphore(%arg12 : memref<!tpu.dma_semaphore, #tpu.memory_space<semaphore_mem>>) src(%dma_wait3A_43 : memref<10240x2x128xi16, #tpu.memory_space<hbm>>) dst(%arg10 : memref<80x2x128xi16, #tpu.memory_space<vmem>>)
      "tpu.region"() ({
        %run_scoped3A = tpu.sem_alloc : memref<!tpu.dma_semaphore, #tpu.memory_space<semaphore_mem>>
        %dma_start3A_68 = arith.constant 0 : i32
        %dma_start3A_69 = tpu.memref_slice %arg9[%add3A_37, %dma_start3A_68] : memref<64x80xi32, #tpu.memory_space<vmem>> -> memref<1x80xi32, #tpu.memory_space<vmem>>
        %dma_start3A_70 = tpu.memref_squeeze %dma_start3A_69 : memref<1x80xi32, #tpu.memory_space<vmem>> -> memref<80xi32, #tpu.memory_space<vmem>>
        %dma_start3A_71 = arith.constant 0 : i32
        %dma_start3A_72 = arith.constant 0 : i32
        %dma_start3A_73 = arith.constant 0 : i32
        %dma_start3A_74 = tpu.memref_slice %arg14[%dma_start3A_71, %dma_start3A_72, %dma_start3A_73] : memref<10240x2x128xi16, #tpu.memory_space<vmem_shared>> -> memref<10240x2x128xi16, #tpu.memory_space<vmem_shared>>
        tpu.enqueue_indirect_dma source(%arg10 : memref<80x2x128xi16, #tpu.memory_space<vmem>>) target(%dma_start3A_74 : memref<10240x2x128xi16, #tpu.memory_space<vmem_shared>>) offsets(%dma_start3A_70 : memref<80xi32, #tpu.memory_space<vmem>>) semaphore(%run_scoped3A : memref<!tpu.dma_semaphore, #tpu.memory_space<semaphore_mem>>) {add = true}
        %dma_wait3A_75 = arith.constant 0 : i32
        %dma_wait3A_76 = tpu.memref_slice %arg9[%add3A_37, %dma_wait3A_75] : memref<64x80xi32, #tpu.memory_space<vmem>> -> memref<1x80xi32, #tpu.memory_space<vmem>>
        %dma_wait3A_77 = tpu.memref_squeeze %dma_wait3A_76 : memref<1x80xi32, #tpu.memory_space<vmem>> -> memref<80xi32, #tpu.memory_space<vmem>>
        %dma_wait3A_78 = arith.constant 0 : i32
        %dma_wait3A_79 = arith.constant 0 : i32
        %dma_wait3A_80 = arith.constant 0 : i32
        %dma_wait3A_81 = tpu.memref_slice %arg14[%dma_wait3A_78, %dma_wait3A_79, %dma_wait3A_80] : memref<10240x2x128xi16, #tpu.memory_space<vmem_shared>> -> memref<10240x2x128xi16, #tpu.memory_space<vmem_shared>>
        tpu.wait_indirect_dma semaphore(%run_scoped3A : memref<!tpu.dma_semaphore, #tpu.memory_space<semaphore_mem>>) src(%arg10 : memref<80x2x128xi16, #tpu.memory_space<vmem>>) dst(%dma_wait3A_81 : memref<10240x2x128xi16, #tpu.memory_space<vmem_shared>>)
        tpu.yield
      }) : () -> ()
      %add3A_44 = arith.constant 2 : i32
      %add3A_45 = arith.addi %add3A_37, %add3A_44 : i32
      %lt3A = arith.constant 64 : i32
      %lt3A_46 = arith.cmpi slt, %add3A_45, %lt3A : i32
      %convert_element_type3A_47 = arith.extui %lt3A_46 : i1 to i32
      %cond3A_48 = arith.constant 0 : i32
      %cond3A_49 = arith.cmpi ne, %convert_element_type3A_47, %cond3A_48 : i32
      scf.if %cond3A_49 {
        %add3A_68 = arith.constant 2 : i32
        %add3A_69 = arith.addi %add3A_37, %add3A_68 : i32
        %dma_start3A_70 = arith.constant 0 : i32
        %dma_start3A_71 = tpu.memref_slice %arg8[%add3A_69, %dma_start3A_70] : memref<64x80xi32, #tpu.memory_space<vmem>> -> memref<1x80xi32, #tpu.memory_space<vmem>>
        %dma_start3A_72 = tpu.memref_squeeze %dma_start3A_71 : memref<1x80xi32, #tpu.memory_space<vmem>> -> memref<80xi32, #tpu.memory_space<vmem>>
        %dma_start3A_73 = arith.constant 0 : i32
        %dma_start3A_74 = arith.constant 0 : i32
        %dma_start3A_75 = arith.constant 0 : i32
        %dma_start3A_76 = tpu.memref_slice %arg2[%dma_start3A_73, %dma_start3A_74, %dma_start3A_75] : memref<10240x2x128xi16, #tpu.memory_space<hbm>> -> memref<10240x2x128xi16, #tpu.memory_space<hbm>>
        tpu.enqueue_indirect_dma source(%dma_start3A_76 : memref<10240x2x128xi16, #tpu.memory_space<hbm>>) target(%arg10 : memref<80x2x128xi16, #tpu.memory_space<vmem>>) offsets(%dma_start3A_72 : memref<80xi32, #tpu.memory_space<vmem>>) semaphore(%arg12 : memref<!tpu.dma_semaphore, #tpu.memory_space<semaphore_mem>>)
      } else {
      }
      %mul3A_50 = arith.constant 2 : i32
      %mul3A_51 = arith.muli %scan3A_33, %mul3A_50 : i32
      %add3A_52 = arith.constant 1 : i32
      %add3A_53 = arith.addi %mul3A_51, %add3A_52 : i32
      %dma_wait3A_54 = arith.constant 0 : i32
      %dma_wait3A_55 = tpu.memref_slice %arg8[%add3A_53, %dma_wait3A_54] : memref<64x80xi32, #tpu.memory_space<vmem>> -> memref<1x80xi32, #tpu.memory_space<vmem>>
      %dma_wait3A_56 = tpu.memref_squeeze %dma_wait3A_55 : memref<1x80xi32, #tpu.memory_space<vmem>> -> memref<80xi32, #tpu.memory_space<vmem>>
      %dma_wait3A_57 = arith.constant 0 : i32
      %dma_wait3A_58 = arith.constant 0 : i32
      %dma_wait3A_59 = arith.constant 0 : i32
      %dma_wait3A_60 = tpu.memref_slice %arg2[%dma_wait3A_57, %dma_wait3A_58, %dma_wait3A_59] : memref<10240x2x128xi16, #tpu.memory_space<hbm>> -> memref<10240x2x128xi16, #tpu.memory_space<hbm>>
      tpu.wait_indirect_dma semaphore(%arg13 : memref<!tpu.dma_semaphore, #tpu.memory_space<semaphore_mem>>) src(%dma_wait3A_60 : memref<10240x2x128xi16, #tpu.memory_space<hbm>>) dst(%arg11 : memref<80x2x128xi16, #tpu.memory_space<vmem>>)
      "tpu.region"() ({
        %run_scoped3A = tpu.sem_alloc : memref<!tpu.dma_semaphore, #tpu.memory_space<semaphore_mem>>
        %dma_start3A_68 = arith.constant 0 : i32
        %dma_start3A_69 = tpu.memref_slice %arg9[%add3A_53, %dma_start3A_68] : memref<64x80xi32, #tpu.memory_space<vmem>> -> memref<1x80xi32, #tpu.memory_space<vmem>>
        %dma_start3A_70 = tpu.memref_squeeze %dma_start3A_69 : memref<1x80xi32, #tpu.memory_space<vmem>> -> memref<80xi32, #tpu.memory_space<vmem>>
        %dma_start3A_71 = arith.constant 0 : i32
        %dma_start3A_72 = arith.constant 0 : i32
        %dma_start3A_73 = arith.constant 0 : i32
        %dma_start3A_74 = tpu.memref_slice %arg14[%dma_start3A_71, %dma_start3A_72, %dma_start3A_73] : memref<10240x2x128xi16, #tpu.memory_space<vmem_shared>> -> memref<10240x2x128xi16, #tpu.memory_space<vmem_shared>>
        tpu.enqueue_indirect_dma source(%arg11 : memref<80x2x128xi16, #tpu.memory_space<vmem>>) target(%dma_start3A_74 : memref<10240x2x128xi16, #tpu.memory_space<vmem_shared>>) offsets(%dma_start3A_70 : memref<80xi32, #tpu.memory_space<vmem>>) semaphore(%run_scoped3A : memref<!tpu.dma_semaphore, #tpu.memory_space<semaphore_mem>>) {add = true}
        %dma_wait3A_75 = arith.constant 0 : i32
        %dma_wait3A_76 = tpu.memref_slice %arg9[%add3A_53, %dma_wait3A_75] : memref<64x80xi32, #tpu.memory_space<vmem>> -> memref<1x80xi32, #tpu.memory_space<vmem>>
        %dma_wait3A_77 = tpu.memref_squeeze %dma_wait3A_76 : memref<1x80xi32, #tpu.memory_space<vmem>> -> memref<80xi32, #tpu.memory_space<vmem>>
        %dma_wait3A_78 = arith.constant 0 : i32
        %dma_wait3A_79 = arith.constant 0 : i32
        %dma_wait3A_80 = arith.constant 0 : i32
        %dma_wait3A_81 = tpu.memref_slice %arg14[%dma_wait3A_78, %dma_wait3A_79, %dma_wait3A_80] : memref<10240x2x128xi16, #tpu.memory_space<vmem_shared>> -> memref<10240x2x128xi16, #tpu.memory_space<vmem_shared>>
        tpu.wait_indirect_dma semaphore(%run_scoped3A : memref<!tpu.dma_semaphore, #tpu.memory_space<semaphore_mem>>) src(%arg11 : memref<80x2x128xi16, #tpu.memory_space<vmem>>) dst(%dma_wait3A_81 : memref<10240x2x128xi16, #tpu.memory_space<vmem_shared>>)
        tpu.yield
      }) : () -> ()
      %add3A_61 = arith.constant 2 : i32
      %add3A_62 = arith.addi %add3A_53, %add3A_61 : i32
      %lt3A_63 = arith.constant 64 : i32
      %lt3A_64 = arith.cmpi slt, %add3A_62, %lt3A_63 : i32
      %convert_element_type3A_65 = arith.extui %lt3A_64 : i1 to i32
      %cond3A_66 = arith.constant 0 : i32
      %cond3A_67 = arith.cmpi ne, %convert_element_type3A_65, %cond3A_66 : i32
      scf.if %cond3A_67 {
        %add3A_68 = arith.constant 2 : i32
        %add3A_69 = arith.addi %add3A_53, %add3A_68 : i32
        %dma_start3A_70 = arith.constant 0 : i32
        %dma_start3A_71 = tpu.memref_slice %arg8[%add3A_69, %dma_start3A_70] : memref<64x80xi32, #tpu.memory_space<vmem>> -> memref<1x80xi32, #tpu.memory_space<vmem>>
        %dma_start3A_72 = tpu.memref_squeeze %dma_start3A_71 : memref<1x80xi32, #tpu.memory_space<vmem>> -> memref<80xi32, #tpu.memory_space<vmem>>
        %dma_start3A_73 = arith.constant 0 : i32
        %dma_start3A_74 = arith.constant 0 : i32
        %dma_start3A_75 = arith.constant 0 : i32
        %dma_start3A_76 = tpu.memref_slice %arg2[%dma_start3A_73, %dma_start3A_74, %dma_start3A_75] : memref<10240x2x128xi16, #tpu.memory_space<hbm>> -> memref<10240x2x128xi16, #tpu.memory_space<hbm>>
        tpu.enqueue_indirect_dma source(%dma_start3A_76 : memref<10240x2x128xi16, #tpu.memory_space<hbm>>) target(%arg11 : memref<80x2x128xi16, #tpu.memory_space<vmem>>) offsets(%dma_start3A_72 : memref<80xi32, #tpu.memory_space<vmem>>) semaphore(%arg13 : memref<!tpu.dma_semaphore, #tpu.memory_space<semaphore_mem>>)
      } else {
      }
    }
    %scan3A_24 = arith.constant 32 : i32
    %barrier3A_25 = arith.constant 0 : index
    tpu.barrier barrier_id(%barrier3A_25)
    %eq3A = arith.constant 0 : i32
    %eq3A_26 = arith.cmpi eq, %arg0, %eq3A : i32
    %convert_element_type3A = arith.extui %eq3A_26 : i1 to i32
    %cond3A = arith.constant 0 : i32
    %cond3A_27 = arith.cmpi ne, %convert_element_type3A, %cond3A : i32
    scf.if %cond3A_27 {
      %mul3A_33 = arith.constant 640 : i32
      %mul3A_34 = arith.muli %arg1, %mul3A_33 : i32
      %mul3A_35 = arith.constant 640 : i32
      %mul3A_36 = arith.muli %arg1, %mul3A_35 : i32
      "tpu.region"() ({
        %run_scoped3A = tpu.sem_alloc : memref<!tpu.dma_semaphore, #tpu.memory_space<semaphore_mem>>
        %dma_start3A_37 = arith.constant 0 : i32
        %dma_start3A_38 = arith.constant 0 : i32
        %dma_start3A_39 = tpu.memref_slice %arg6[%mul3A_36, %dma_start3A_37, %dma_start3A_38] : memref<10240x2x128xi16, #tpu.memory_space<hbm>> -> memref<640x2x128xi16, #tpu.memory_space<hbm>>
        %dma_start3A_40 = arith.constant 0 : i32
        %dma_start3A_41 = arith.constant 0 : i32
        %dma_start3A_42 = tpu.memref_slice %arg14[%mul3A_34, %dma_start3A_40, %dma_start3A_41] : memref<10240x2x128xi16, #tpu.memory_space<vmem_shared>> -> memref<640x2x128xi16, #tpu.memory_space<vmem_shared>>
        tpu.enqueue_dma source(%dma_start3A_42 : memref<640x2x128xi16, #tpu.memory_space<vmem_shared>>) target(%dma_start3A_39 : memref<640x2x128xi16, #tpu.memory_space<hbm>>) target_semaphore(%run_scoped3A : memref<!tpu.dma_semaphore, #tpu.memory_space<semaphore_mem>>)
        %dma_wait3A = arith.constant 0 : i32
        %dma_wait3A_43 = arith.constant 0 : i32
        %dma_wait3A_44 = tpu.memref_slice %arg6[%mul3A_36, %dma_wait3A, %dma_wait3A_43] : memref<10240x2x128xi16, #tpu.memory_space<hbm>> -> memref<640x2x128xi16, #tpu.memory_space<hbm>>
        %dma_wait3A_45 = arith.constant 0 : i32
        %dma_wait3A_46 = arith.constant 0 : i32
        %dma_wait3A_47 = tpu.memref_slice %arg14[%mul3A_34, %dma_wait3A_45, %dma_wait3A_46] : memref<10240x2x128xi16, #tpu.memory_space<vmem_shared>> -> memref<640x2x128xi16, #tpu.memory_space<vmem_shared>>
        tpu.wait_dma2 semaphore(%run_scoped3A : memref<!tpu.dma_semaphore, #tpu.memory_space<semaphore_mem>>) src(%dma_wait3A_47 : memref<640x2x128xi16, #tpu.memory_space<vmem_shared>>) dst(%dma_wait3A_44 : memref<640x2x128xi16, #tpu.memory_space<hbm>>)
        tpu.yield
      }) : () -> ()
    } else {
    }
    %eq3A_28 = arith.constant 1 : i32
    %eq3A_29 = arith.cmpi eq, %arg0, %eq3A_28 : i32
    %convert_element_type3A_30 = arith.extui %eq3A_29 : i1 to i32
    %cond3A_31 = arith.constant 0 : i32
    %cond3A_32 = arith.cmpi ne, %convert_element_type3A_30, %cond3A_31 : i32
    scf.if %cond3A_32 {
      %mul3A_33 = arith.constant 640 : i32
      %mul3A_34 = arith.muli %arg1, %mul3A_33 : i32
      %mul3A_35 = arith.constant 640 : i32
      %mul3A_36 = arith.muli %arg1, %mul3A_35 : i32
      "tpu.region"() ({
        %run_scoped3A = tpu.sem_alloc : memref<!tpu.dma_semaphore, #tpu.memory_space<semaphore_mem>>
        %dma_start3A_37 = arith.constant 0 : i32
        %dma_start3A_38 = arith.constant 0 : i32
        %dma_start3A_39 = tpu.memref_slice %arg7[%mul3A_36, %dma_start3A_37, %dma_start3A_38] : memref<10240x2x128xi16, #tpu.memory_space<hbm>> -> memref<640x2x128xi16, #tpu.memory_space<hbm>>
        %dma_start3A_40 = arith.constant 0 : i32
        %dma_start3A_41 = arith.constant 0 : i32
        %dma_start3A_42 = tpu.memref_slice %arg14[%mul3A_34, %dma_start3A_40, %dma_start3A_41] : memref<10240x2x128xi16, #tpu.memory_space<vmem_shared>> -> memref<640x2x128xi16, #tpu.memory_space<vmem_shared>>
        tpu.enqueue_dma source(%dma_start3A_42 : memref<640x2x128xi16, #tpu.memory_space<vmem_shared>>) target(%dma_start3A_39 : memref<640x2x128xi16, #tpu.memory_space<hbm>>) target_semaphore(%run_scoped3A : memref<!tpu.dma_semaphore, #tpu.memory_space<semaphore_mem>>)
        %dma_wait3A = arith.constant 0 : i32
        %dma_wait3A_43 = arith.constant 0 : i32
        %dma_wait3A_44 = tpu.memref_slice %arg7[%mul3A_36, %dma_wait3A, %dma_wait3A_43] : memref<10240x2x128xi16, #tpu.memory_space<hbm>> -> memref<640x2x128xi16, #tpu.memory_space<hbm>>
        %dma_wait3A_45 = arith.constant 0 : i32
        %dma_wait3A_46 = arith.constant 0 : i32
        %dma_wait3A_47 = tpu.memref_slice %arg14[%mul3A_34, %dma_wait3A_45, %dma_wait3A_46] : memref<10240x2x128xi16, #tpu.memory_space<vmem_shared>> -> memref<640x2x128xi16, #tpu.memory_space<vmem_shared>>
        tpu.wait_dma2 semaphore(%run_scoped3A : memref<!tpu.dma_semaphore, #tpu.memory_space<semaphore_mem>>) src(%dma_wait3A_47 : memref<640x2x128xi16, #tpu.memory_space<vmem_shared>>) dst(%dma_wait3A_44 : memref<640x2x128xi16, #tpu.memory_space<hbm>>)
        tpu.yield
      }) : () -> ()
    } else {
    }
    return
  }
}

#map = affine_map<(d0, d1) -> (0, 0, 0)>
#map1 = affine_map<(d0, d1) -> (0, 0)>
module attributes {stable_mosaic.version = 14 : i64} {
  func.func @_agg_body(%arg0: i32, %arg1: i32, %arg2: memref<10240x2x128xi16, #tpu.memory_space<hbm>>, %arg3: memref<2048x80xi32, #tpu.memory_space<hbm>>, %arg4: memref<2048x80xi32, #tpu.memory_space<hbm>>, %arg5: memref<640x2x128xi16, #tpu.memory_space<hbm>>, %arg6: memref<10240x2x128xi16, #tpu.memory_space<hbm>>, %arg7: memref<10240x2x128xi16, #tpu.memory_space<hbm>>, %arg8: memref<64x80xi32, #tpu.memory_space<vmem>>, %arg9: memref<64x80xi32, #tpu.memory_space<vmem>>, %arg10: memref<80x2x128xi16, #tpu.memory_space<vmem>>, %arg11: memref<80x2x128xi16, #tpu.memory_space<vmem>>, %arg12: memref<!tpu.dma_semaphore, #tpu.memory_space<semaphore_mem>>, %arg13: memref<!tpu.dma_semaphore, #tpu.memory_space<semaphore_mem>>, %arg14: memref<10240x2x128xi16, #tpu.memory_space<vmem_shared>>) attributes {dimension_semantics = [#tpu.dimension_semantics<core_parallel>, #tpu.dimension_semantics<subcore_parallel>], iteration_bounds = array<i64: 2, 16>, scalar_prefetch = 0 : i64, scratch_operands = 7 : i64, tpu.core_type = #tpu.core_type<sc_vector_subcore>, window_params = [{transform_indices = #map}, {transform_indices = #map1}, {transform_indices = #map1}, {transform_indices = #map}, {transform_indices = #map}, {transform_indices = #map}]} {
    %mul3A = arith.constant 1024 : i32
    %mul3A_0 = arith.muli %arg0, %mul3A : i32
    %mul3A_1 = arith.constant 64 : i32
    %mul3A_2 = arith.muli %arg1, %mul3A_1 : i32
    %add3A = arith.addi %mul3A_0, %mul3A_2 : i32
    "tpu.region"() ({
      %run_scoped3A = tpu.sem_alloc : memref<!tpu.dma_semaphore, #tpu.memory_space<semaphore_mem>>
      %dma_start3A_33 = arith.constant 0 : i32
      %dma_start3A_34 = tpu.memref_slice %arg3[%add3A, %dma_start3A_33] : memref<2048x80xi32, #tpu.memory_space<hbm>> -> memref<64x80xi32, #tpu.memory_space<hbm>>
      %dma_start3A_35 = arith.constant 0 : i32
      %dma_start3A_36 = tpu.memref_slice %arg3[%add3A, %dma_start3A_35] : memref<2048x80xi32, #tpu.memory_space<hbm>> -> memref<64x80xi32, #tpu.memory_space<hbm>>
      tpu.enqueue_dma source(%dma_start3A_36 : memref<64x80xi32, #tpu.memory_space<hbm>>) target(%arg8 : memref<64x80xi32, #tpu.memory_space<vmem>>) target_semaphore(%run_scoped3A : memref<!tpu.dma_semaphore, #tpu.memory_space<semaphore_mem>>)
      %dma_wait3A = arith.constant 0 : i32
      %dma_wait3A_37 = tpu.memref_slice %arg3[%add3A, %dma_wait3A] : memref<2048x80xi32, #tpu.memory_space<hbm>> -> memref<64x80xi32, #tpu.memory_space<hbm>>
      %dma_wait3A_38 = arith.constant 0 : i32
      %dma_wait3A_39 = tpu.memref_slice %arg3[%add3A, %dma_wait3A_38] : memref<2048x80xi32, #tpu.memory_space<hbm>> -> memref<64x80xi32, #tpu.memory_space<hbm>>
      tpu.wait_dma2 semaphore(%run_scoped3A : memref<!tpu.dma_semaphore, #tpu.memory_space<semaphore_mem>>) src(%dma_wait3A_39 : memref<64x80xi32, #tpu.memory_space<hbm>>) dst(%arg8 : memref<64x80xi32, #tpu.memory_space<vmem>>)
      tpu.yield
    }) : () -> ()
    "tpu.region"() ({
      %run_scoped3A = tpu.sem_alloc : memref<!tpu.dma_semaphore, #tpu.memory_space<semaphore_mem>>
      %dma_start3A_33 = arith.constant 0 : i32
      %dma_start3A_34 = tpu.memref_slice %arg4[%add3A, %dma_start3A_33] : memref<2048x80xi32, #tpu.memory_space<hbm>> -> memref<64x80xi32, #tpu.memory_space<hbm>>
      %dma_start3A_35 = arith.constant 0 : i32
      %dma_start3A_36 = tpu.memref_slice %arg4[%add3A, %dma_start3A_35] : memref<2048x80xi32, #tpu.memory_space<hbm>> -> memref<64x80xi32, #tpu.memory_space<hbm>>
      tpu.enqueue_dma source(%dma_start3A_36 : memref<64x80xi32, #tpu.memory_space<hbm>>) target(%arg9 : memref<64x80xi32, #tpu.memory_space<vmem>>) target_semaphore(%run_scoped3A : memref<!tpu.dma_semaphore, #tpu.memory_space<semaphore_mem>>)
      %dma_wait3A = arith.constant 0 : i32
      %dma_wait3A_37 = tpu.memref_slice %arg4[%add3A, %dma_wait3A] : memref<2048x80xi32, #tpu.memory_space<hbm>> -> memref<64x80xi32, #tpu.memory_space<hbm>>
      %dma_wait3A_38 = arith.constant 0 : i32
      %dma_wait3A_39 = tpu.memref_slice %arg4[%add3A, %dma_wait3A_38] : memref<2048x80xi32, #tpu.memory_space<hbm>> -> memref<64x80xi32, #tpu.memory_space<hbm>>
      tpu.wait_dma2 semaphore(%run_scoped3A : memref<!tpu.dma_semaphore, #tpu.memory_space<semaphore_mem>>) src(%dma_wait3A_39 : memref<64x80xi32, #tpu.memory_space<hbm>>) dst(%arg9 : memref<64x80xi32, #tpu.memory_space<vmem>>)
      tpu.yield
    }) : () -> ()
    %mul3A_3 = arith.constant 640 : i32
    %mul3A_4 = arith.muli %arg1, %mul3A_3 : i32
    "tpu.region"() ({
      %run_scoped3A = tpu.sem_alloc : memref<!tpu.dma_semaphore, #tpu.memory_space<semaphore_mem>>
      %dma_start3A_33 = arith.constant 0 : i32
      %dma_start3A_34 = arith.constant 0 : i32
      %dma_start3A_35 = tpu.memref_slice %arg14[%mul3A_4, %dma_start3A_33, %dma_start3A_34] : memref<10240x2x128xi16, #tpu.memory_space<vmem_shared>> -> memref<640x2x128xi16, #tpu.memory_space<vmem_shared>>
      tpu.enqueue_dma source(%arg5 : memref<640x2x128xi16, #tpu.memory_space<hbm>>) target(%dma_start3A_35 : memref<640x2x128xi16, #tpu.memory_space<vmem_shared>>) target_semaphore(%run_scoped3A : memref<!tpu.dma_semaphore, #tpu.memory_space<semaphore_mem>>)
      %dma_wait3A = arith.constant 0 : i32
      %dma_wait3A_36 = arith.constant 0 : i32
      %dma_wait3A_37 = tpu.memref_slice %arg14[%mul3A_4, %dma_wait3A, %dma_wait3A_36] : memref<10240x2x128xi16, #tpu.memory_space<vmem_shared>> -> memref<640x2x128xi16, #tpu.memory_space<vmem_shared>>
      tpu.wait_dma2 semaphore(%run_scoped3A : memref<!tpu.dma_semaphore, #tpu.memory_space<semaphore_mem>>) src(%arg5 : memref<640x2x128xi16, #tpu.memory_space<hbm>>) dst(%dma_wait3A_37 : memref<640x2x128xi16, #tpu.memory_space<vmem_shared>>)
      tpu.yield
    }) : () -> ()
    %barrier3A = arith.constant 0 : index
    tpu.barrier barrier_id(%barrier3A)
    %dma_start3A = arith.constant 0 : i32
    %dma_start3A_5 = arith.constant 0 : i32
    %dma_start3A_6 = tpu.memref_slice %arg8[%dma_start3A, %dma_start3A_5] : memref<64x80xi32, #tpu.memory_space<vmem>> -> memref<1x80xi32, #tpu.memory_space<vmem>>
    %dma_start3A_7 = tpu.memref_squeeze %dma_start3A_6 : memref<1x80xi32, #tpu.memory_space<vmem>> -> memref<80xi32, #tpu.memory_space<vmem>>
    %dma_start3A_8 = arith.constant 0 : i32
    %dma_start3A_9 = arith.constant 0 : i32
    %dma_start3A_10 = arith.constant 0 : i32
    %dma_start3A_11 = tpu.memref_slice %arg2[%dma_start3A_8, %dma_start3A_9, %dma_start3A_10] : memref<10240x2x128xi16, #tpu.memory_space<hbm>> -> memref<10240x2x128xi16, #tpu.memory_space<hbm>>
    tpu.enqueue_indirect_dma source(%dma_start3A_11 : memref<10240x2x128xi16, #tpu.memory_space<hbm>>) target(%arg10 : memref<80x2x128xi16, #tpu.memory_space<vmem>>) offsets(%dma_start3A_7 : memref<80xi32, #tpu.memory_space<vmem>>) semaphore(%arg12 : memref<!tpu.dma_semaphore, #tpu.memory_space<semaphore_mem>>)
    %dma_start3A_12 = arith.constant 1 : i32
    %dma_start3A_13 = arith.constant 0 : i32
    %dma_start3A_14 = tpu.memref_slice %arg8[%dma_start3A_12, %dma_start3A_13] : memref<64x80xi32, #tpu.memory_space<vmem>> -> memref<1x80xi32, #tpu.memory_space<vmem>>
    %dma_start3A_15 = tpu.memref_squeeze %dma_start3A_14 : memref<1x80xi32, #tpu.memory_space<vmem>> -> memref<80xi32, #tpu.memory_space<vmem>>
    %dma_start3A_16 = arith.constant 0 : i32
    %dma_start3A_17 = arith.constant 0 : i32
    %dma_start3A_18 = arith.constant 0 : i32
    %dma_start3A_19 = tpu.memref_slice %arg2[%dma_start3A_16, %dma_start3A_17, %dma_start3A_18] : memref<10240x2x128xi16, #tpu.memory_space<hbm>> -> memref<10240x2x128xi16, #tpu.memory_space<hbm>>
    tpu.enqueue_indirect_dma source(%dma_start3A_19 : memref<10240x2x128xi16, #tpu.memory_space<hbm>>) target(%arg11 : memref<80x2x128xi16, #tpu.memory_space<vmem>>) offsets(%dma_start3A_15 : memref<80xi32, #tpu.memory_space<vmem>>) semaphore(%arg13 : memref<!tpu.dma_semaphore, #tpu.memory_space<semaphore_mem>>)
    %scan3A = arith.constant 0 : i32
    %scan3A_20 = arith.constant 0 : i32
    %scan3A_21 = arith.constant 32 : i32
    %scan3A_22 = arith.addi %scan3A_20, %scan3A_21 : i32
    %scan3A_23 = arith.constant 1 : i32
    scf.for %scan3A_33 = %scan3A_20 to %scan3A_22 step %scan3A_23  : i32 {
      %mul3A_34 = arith.constant 2 : i32
      %mul3A_35 = arith.muli %scan3A_33, %mul3A_34 : i32
      %add3A_36 = arith.constant 0 : i32
      %add3A_37 = arith.addi %mul3A_35, %add3A_36 : i32
      %dma_wait3A = arith.constant 0 : i32
      %dma_wait3A_38 = tpu.memref_slice %arg8[%add3A_37, %dma_wait3A] : memref<64x80xi32, #tpu.memory_space<vmem>> -> memref<1x80xi32, #tpu.memory_space<vmem>>
      %dma_wait3A_39 = tpu.memref_squeeze %dma_wait3A_38 : memref<1x80xi32, #tpu.memory_space<vmem>> -> memref<80xi32, #tpu.memory_space<vmem>>
      %dma_wait3A_40 = arith.constant 0 : i32
      %dma_wait3A_41 = arith.constant 0 : i32
      %dma_wait3A_42 = arith.constant 0 : i32
      %dma_wait3A_43 = tpu.memref_slice %arg2[%dma_wait3A_40, %dma_wait3A_41, %dma_wait3A_42] : memref<10240x2x128xi16, #tpu.memory_space<hbm>> -> memref<10240x2x128xi16, #tpu.memory_space<hbm>>
      tpu.wait_indirect_dma semaphore(%arg12 : memref<!tpu.dma_semaphore, #tpu.memory_space<semaphore_mem>>) src(%dma_wait3A_43 : memref<10240x2x128xi16, #tpu.memory_space<hbm>>) dst(%arg10 : memref<80x2x128xi16, #tpu.memory_space<vmem>>)
      "tpu.region"() ({
        %run_scoped3A = tpu.sem_alloc : memref<!tpu.dma_semaphore, #tpu.memory_space<semaphore_mem>>
        %dma_start3A_68 = arith.constant 0 : i32
        %dma_start3A_69 = tpu.memref_slice %arg9[%add3A_37, %dma_start3A_68] : memref<64x80xi32, #tpu.memory_space<vmem>> -> memref<1x80xi32, #tpu.memory_space<vmem>>
        %dma_start3A_70 = tpu.memref_squeeze %dma_start3A_69 : memref<1x80xi32, #tpu.memory_space<vmem>> -> memref<80xi32, #tpu.memory_space<vmem>>
        %dma_start3A_71 = arith.constant 0 : i32
        %dma_start3A_72 = arith.constant 0 : i32
        %dma_start3A_73 = arith.constant 0 : i32
        %dma_start3A_74 = tpu.memref_slice %arg14[%dma_start3A_71, %dma_start3A_72, %dma_start3A_73] : memref<10240x2x128xi16, #tpu.memory_space<vmem_shared>> -> memref<10240x2x128xi16, #tpu.memory_space<vmem_shared>>
        tpu.enqueue_indirect_dma source(%arg10 : memref<80x2x128xi16, #tpu.memory_space<vmem>>) target(%dma_start3A_74 : memref<10240x2x128xi16, #tpu.memory_space<vmem_shared>>) offsets(%dma_start3A_70 : memref<80xi32, #tpu.memory_space<vmem>>) semaphore(%run_scoped3A : memref<!tpu.dma_semaphore, #tpu.memory_space<semaphore_mem>>) {add = true}
        %dma_wait3A_75 = arith.constant 0 : i32
        %dma_wait3A_76 = tpu.memref_slice %arg9[%add3A_37, %dma_wait3A_75] : memref<64x80xi32, #tpu.memory_space<vmem>> -> memref<1x80xi32, #tpu.memory_space<vmem>>
        %dma_wait3A_77 = tpu.memref_squeeze %dma_wait3A_76 : memref<1x80xi32, #tpu.memory_space<vmem>> -> memref<80xi32, #tpu.memory_space<vmem>>
        %dma_wait3A_78 = arith.constant 0 : i32
        %dma_wait3A_79 = arith.constant 0 : i32
        %dma_wait3A_80 = arith.constant 0 : i32
        %dma_wait3A_81 = tpu.memref_slice %arg14[%dma_wait3A_78, %dma_wait3A_79, %dma_wait3A_80] : memref<10240x2x128xi16, #tpu.memory_space<vmem_shared>> -> memref<10240x2x128xi16, #tpu.memory_space<vmem_shared>>
        tpu.wait_indirect_dma semaphore(%run_scoped3A : memref<!tpu.dma_semaphore, #tpu.memory_space<semaphore_mem>>) src(%arg10 : memref<80x2x128xi16, #tpu.memory_space<vmem>>) dst(%dma_wait3A_81 : memref<10240x2x128xi16, #tpu.memory_space<vmem_shared>>)
        tpu.yield
      }) : () -> ()
      %add3A_44 = arith.constant 2 : i32
      %add3A_45 = arith.addi %add3A_37, %add3A_44 : i32
      %lt3A = arith.constant 64 : i32
      %lt3A_46 = arith.cmpi slt, %add3A_45, %lt3A : i32
      %convert_element_type3A_47 = arith.extui %lt3A_46 : i1 to i32
      %cond3A_48 = arith.constant 0 : i32
      %cond3A_49 = arith.cmpi ne, %convert_element_type3A_47, %cond3A_48 : i32
      scf.if %cond3A_49 {
        %add3A_68 = arith.constant 2 : i32
        %add3A_69 = arith.addi %add3A_37, %add3A_68 : i32
        %dma_start3A_70 = arith.constant 0 : i32
        %dma_start3A_71 = tpu.memref_slice %arg8[%add3A_69, %dma_start3A_70] : memref<64x80xi32, #tpu.memory_space<vmem>> -> memref<1x80xi32, #tpu.memory_space<vmem>>
        %dma_start3A_72 = tpu.memref_squeeze %dma_start3A_71 : memref<1x80xi32, #tpu.memory_space<vmem>> -> memref<80xi32, #tpu.memory_space<vmem>>
        %dma_start3A_73 = arith.constant 0 : i32
        %dma_start3A_74 = arith.constant 0 : i32
        %dma_start3A_75 = arith.constant 0 : i32
        %dma_start3A_76 = tpu.memref_slice %arg2[%dma_start3A_73, %dma_start3A_74, %dma_start3A_75] : memref<10240x2x128xi16, #tpu.memory_space<hbm>> -> memref<10240x2x128xi16, #tpu.memory_space<hbm>>
        tpu.enqueue_indirect_dma source(%dma_start3A_76 : memref<10240x2x128xi16, #tpu.memory_space<hbm>>) target(%arg10 : memref<80x2x128xi16, #tpu.memory_space<vmem>>) offsets(%dma_start3A_72 : memref<80xi32, #tpu.memory_space<vmem>>) semaphore(%arg12 : memref<!tpu.dma_semaphore, #tpu.memory_space<semaphore_mem>>)
      } else {
      }
      %mul3A_50 = arith.constant 2 : i32
      %mul3A_51 = arith.muli %scan3A_33, %mul3A_50 : i32
      %add3A_52 = arith.constant 1 : i32
      %add3A_53 = arith.addi %mul3A_51, %add3A_52 : i32
      %dma_wait3A_54 = arith.constant 0 : i32
      %dma_wait3A_55 = tpu.memref_slice %arg8[%add3A_53, %dma_wait3A_54] : memref<64x80xi32, #tpu.memory_space<vmem>> -> memref<1x80xi32, #tpu.memory_space<vmem>>
      %dma_wait3A_56 = tpu.memref_squeeze %dma_wait3A_55 : memref<1x80xi32, #tpu.memory_space<vmem>> -> memref<80xi32, #tpu.memory_space<vmem>>
      %dma_wait3A_57 = arith.constant 0 : i32
      %dma_wait3A_58 = arith.constant 0 : i32
      %dma_wait3A_59 = arith.constant 0 : i32
      %dma_wait3A_60 = tpu.memref_slice %arg2[%dma_wait3A_57, %dma_wait3A_58, %dma_wait3A_59] : memref<10240x2x128xi16, #tpu.memory_space<hbm>> -> memref<10240x2x128xi16, #tpu.memory_space<hbm>>
      tpu.wait_indirect_dma semaphore(%arg13 : memref<!tpu.dma_semaphore, #tpu.memory_space<semaphore_mem>>) src(%dma_wait3A_60 : memref<10240x2x128xi16, #tpu.memory_space<hbm>>) dst(%arg11 : memref<80x2x128xi16, #tpu.memory_space<vmem>>)
      "tpu.region"() ({
        %run_scoped3A = tpu.sem_alloc : memref<!tpu.dma_semaphore, #tpu.memory_space<semaphore_mem>>
        %dma_start3A_68 = arith.constant 0 : i32
        %dma_start3A_69 = tpu.memref_slice %arg9[%add3A_53, %dma_start3A_68] : memref<64x80xi32, #tpu.memory_space<vmem>> -> memref<1x80xi32, #tpu.memory_space<vmem>>
        %dma_start3A_70 = tpu.memref_squeeze %dma_start3A_69 : memref<1x80xi32, #tpu.memory_space<vmem>> -> memref<80xi32, #tpu.memory_space<vmem>>
        %dma_start3A_71 = arith.constant 0 : i32
        %dma_start3A_72 = arith.constant 0 : i32
        %dma_start3A_73 = arith.constant 0 : i32
        %dma_start3A_74 = tpu.memref_slice %arg14[%dma_start3A_71, %dma_start3A_72, %dma_start3A_73] : memref<10240x2x128xi16, #tpu.memory_space<vmem_shared>> -> memref<10240x2x128xi16, #tpu.memory_space<vmem_shared>>
        tpu.enqueue_indirect_dma source(%arg11 : memref<80x2x128xi16, #tpu.memory_space<vmem>>) target(%dma_start3A_74 : memref<10240x2x128xi16, #tpu.memory_space<vmem_shared>>) offsets(%dma_start3A_70 : memref<80xi32, #tpu.memory_space<vmem>>) semaphore(%run_scoped3A : memref<!tpu.dma_semaphore, #tpu.memory_space<semaphore_mem>>) {add = true}
        %dma_wait3A_75 = arith.constant 0 : i32
        %dma_wait3A_76 = tpu.memref_slice %arg9[%add3A_53, %dma_wait3A_75] : memref<64x80xi32, #tpu.memory_space<vmem>> -> memref<1x80xi32, #tpu.memory_space<vmem>>
        %dma_wait3A_77 = tpu.memref_squeeze %dma_wait3A_76 : memref<1x80xi32, #tpu.memory_space<vmem>> -> memref<80xi32, #tpu.memory_space<vmem>>
        %dma_wait3A_78 = arith.constant 0 : i32
        %dma_wait3A_79 = arith.constant 0 : i32
        %dma_wait3A_80 = arith.constant 0 : i32
        %dma_wait3A_81 = tpu.memref_slice %arg14[%dma_wait3A_78, %dma_wait3A_79, %dma_wait3A_80] : memref<10240x2x128xi16, #tpu.memory_space<vmem_shared>> -> memref<10240x2x128xi16, #tpu.memory_space<vmem_shared>>
        tpu.wait_indirect_dma semaphore(%run_scoped3A : memref<!tpu.dma_semaphore, #tpu.memory_space<semaphore_mem>>) src(%arg11 : memref<80x2x128xi16, #tpu.memory_space<vmem>>) dst(%dma_wait3A_81 : memref<10240x2x128xi16, #tpu.memory_space<vmem_shared>>)
        tpu.yield
      }) : () -> ()
      %add3A_61 = arith.constant 2 : i32
      %add3A_62 = arith.addi %add3A_53, %add3A_61 : i32
      %lt3A_63 = arith.constant 64 : i32
      %lt3A_64 = arith.cmpi slt, %add3A_62, %lt3A_63 : i32
      %convert_element_type3A_65 = arith.extui %lt3A_64 : i1 to i32
      %cond3A_66 = arith.constant 0 : i32
      %cond3A_67 = arith.cmpi ne, %convert_element_type3A_65, %cond3A_66 : i32
      scf.if %cond3A_67 {
        %add3A_68 = arith.constant 2 : i32
        %add3A_69 = arith.addi %add3A_53, %add3A_68 : i32
        %dma_start3A_70 = arith.constant 0 : i32
        %dma_start3A_71 = tpu.memref_slice %arg8[%add3A_69, %dma_start3A_70] : memref<64x80xi32, #tpu.memory_space<vmem>> -> memref<1x80xi32, #tpu.memory_space<vmem>>
        %dma_start3A_72 = tpu.memref_squeeze %dma_start3A_71 : memref<1x80xi32, #tpu.memory_space<vmem>> -> memref<80xi32, #tpu.memory_space<vmem>>
        %dma_start3A_73 = arith.constant 0 : i32
        %dma_start3A_74 = arith.constant 0 : i32
        %dma_start3A_75 = arith.constant 0 : i32
        %dma_start3A_76 = tpu.memref_slice %arg2[%dma_start3A_73, %dma_start3A_74, %dma_start3A_75] : memref<10240x2x128xi16, #tpu.memory_space<hbm>> -> memref<10240x2x128xi16, #tpu.memory_space<hbm>>
        tpu.enqueue_indirect_dma source(%dma_start3A_76 : memref<10240x2x128xi16, #tpu.memory_space<hbm>>) target(%arg11 : memref<80x2x128xi16, #tpu.memory_space<vmem>>) offsets(%dma_start3A_72 : memref<80xi32, #tpu.memory_space<vmem>>) semaphore(%arg13 : memref<!tpu.dma_semaphore, #tpu.memory_space<semaphore_mem>>)
      } else {
      }
    }
    %scan3A_24 = arith.constant 32 : i32
    %barrier3A_25 = arith.constant 0 : index
    tpu.barrier barrier_id(%barrier3A_25)
    %eq3A = arith.constant 0 : i32
    %eq3A_26 = arith.cmpi eq, %arg0, %eq3A : i32
    %convert_element_type3A = arith.extui %eq3A_26 : i1 to i32
    %cond3A = arith.constant 0 : i32
    %cond3A_27 = arith.cmpi ne, %convert_element_type3A, %cond3A : i32
    scf.if %cond3A_27 {
      %mul3A_33 = arith.constant 640 : i32
      %mul3A_34 = arith.muli %arg1, %mul3A_33 : i32
      %mul3A_35 = arith.constant 640 : i32
      %mul3A_36 = arith.muli %arg1, %mul3A_35 : i32
      "tpu.region"() ({
        %run_scoped3A = tpu.sem_alloc : memref<!tpu.dma_semaphore, #tpu.memory_space<semaphore_mem>>
        %dma_start3A_37 = arith.constant 0 : i32
        %dma_start3A_38 = arith.constant 0 : i32
        %dma_start3A_39 = tpu.memref_slice %arg6[%mul3A_36, %dma_start3A_37, %dma_start3A_38] : memref<10240x2x128xi16, #tpu.memory_space<hbm>> -> memref<640x2x128xi16, #tpu.memory_space<hbm>>
        %dma_start3A_40 = arith.constant 0 : i32
        %dma_start3A_41 = arith.constant 0 : i32
        %dma_start3A_42 = tpu.memref_slice %arg14[%mul3A_34, %dma_start3A_40, %dma_start3A_41] : memref<10240x2x128xi16, #tpu.memory_space<vmem_shared>> -> memref<640x2x128xi16, #tpu.memory_space<vmem_shared>>
        tpu.enqueue_dma source(%dma_start3A_42 : memref<640x2x128xi16, #tpu.memory_space<vmem_shared>>) target(%dma_start3A_39 : memref<640x2x128xi16, #tpu.memory_space<hbm>>) target_semaphore(%run_scoped3A : memref<!tpu.dma_semaphore, #tpu.memory_space<semaphore_mem>>)
        %dma_wait3A = arith.constant 0 : i32
        %dma_wait3A_43 = arith.constant 0 : i32
        %dma_wait3A_44 = tpu.memref_slice %arg6[%mul3A_36, %dma_wait3A, %dma_wait3A_43] : memref<10240x2x128xi16, #tpu.memory_space<hbm>> -> memref<640x2x128xi16, #tpu.memory_space<hbm>>
        %dma_wait3A_45 = arith.constant 0 : i32
        %dma_wait3A_46 = arith.constant 0 : i32
        %dma_wait3A_47 = tpu.memref_slice %arg14[%mul3A_34, %dma_wait3A_45, %dma_wait3A_46] : memref<10240x2x128xi16, #tpu.memory_space<vmem_shared>> -> memref<640x2x128xi16, #tpu.memory_space<vmem_shared>>
        tpu.wait_dma2 semaphore(%run_scoped3A : memref<!tpu.dma_semaphore, #tpu.memory_space<semaphore_mem>>) src(%dma_wait3A_47 : memref<640x2x128xi16, #tpu.memory_space<vmem_shared>>) dst(%dma_wait3A_44 : memref<640x2x128xi16, #tpu.memory_space<hbm>>)
        tpu.yield
      }) : () -> ()
    } else {
    }
    %eq3A_28 = arith.constant 1 : i32
    %eq3A_29 = arith.cmpi eq, %arg0, %eq3A_28 : i32
    %convert_element_type3A_30 = arith.extui %eq3A_29 : i1 to i32
    %cond3A_31 = arith.constant 0 : i32
    %cond3A_32 = arith.cmpi ne, %convert_element_type3A_30, %cond3A_31 : i32
    scf.if %cond3A_32 {
      %mul3A_33 = arith.constant 640 : i32
      %mul3A_34 = arith.muli %arg1, %mul3A_33 : i32
      %mul3A_35 = arith.constant 640 : i32
      %mul3A_36 = arith.muli %arg1, %mul3A_35 : i32
      "tpu.region"() ({
        %run_scoped3A = tpu.sem_alloc : memref<!tpu.dma_semaphore, #tpu.memory_space<semaphore_mem>>
        %dma_start3A_37 = arith.constant 0 : i32
        %dma_start3A_38 = arith.constant 0 : i32
        %dma_start3A_39 = tpu.memref_slice %arg7[%mul3A_36, %dma_start3A_37, %dma_start3A_38] : memref<10240x2x128xi16, #tpu.memory_space<hbm>> -> memref<640x2x128xi16, #tpu.memory_space<hbm>>
        %dma_start3A_40 = arith.constant 0 : i32
        %dma_start3A_41 = arith.constant 0 : i32
        %dma_start3A_42 = tpu.memref_slice %arg14[%mul3A_34, %dma_start3A_40, %dma_start3A_41] : memref<10240x2x128xi16, #tpu.memory_space<vmem_shared>> -> memref<640x2x128xi16, #tpu.memory_space<vmem_shared>>
        tpu.enqueue_dma source(%dma_start3A_42 : memref<640x2x128xi16, #tpu.memory_space<vmem_shared>>) target(%dma_start3A_39 : memref<640x2x128xi16, #tpu.memory_space<hbm>>) target_semaphore(%run_scoped3A : memref<!tpu.dma_semaphore, #tpu.memory_space<semaphore_mem>>)
        %dma_wait3A = arith.constant 0 : i32
        %dma_wait3A_43 = arith.constant 0 : i32
        %dma_wait3A_44 = tpu.memref_slice %arg7[%mul3A_36, %dma_wait3A, %dma_wait3A_43] : memref<10240x2x128xi16, #tpu.memory_space<hbm>> -> memref<640x2x128xi16, #tpu.memory_space<hbm>>
        %dma_wait3A_45 = arith.constant 0 : i32
        %dma_wait3A_46 = arith.constant 0 : i32
        %dma_wait3A_47 = tpu.memref_slice %arg14[%mul3A_34, %dma_wait3A_45, %dma_wait3A_46] : memref<10240x2x128xi16, #tpu.memory_space<vmem_shared>> -> memref<640x2x128xi16, #tpu.memory_space<vmem_shared>>
        tpu.wait_dma2 semaphore(%run_scoped3A : memref<!tpu.dma_semaphore, #tpu.memory_space<semaphore_mem>>) src(%dma_wait3A_47 : memref<640x2x128xi16, #tpu.memory_space<vmem_shared>>) dst(%dma_wait3A_44 : memref<640x2x128xi16, #tpu.memory_space<hbm>>)
        tpu.yield
      }) : () -> ()
    } else {
    }
    return
  }
}

module attributes {stable_mosaic.version = 14 : i64} {
  func.func @_mm1_body(%arg0: i32, %arg1: memref<512x256xf32, #tpu.memory_space<vmem>>, %arg2: memref<256x256xf32, #tpu.memory_space<vmem>>, %arg3: memref<512x1xf32, #tpu.memory_space<vmem>>, %arg4: memref<512x256xi16, #tpu.memory_space<vmem>>) attributes {dimension_semantics = [#tpu.dimension_semantics<arbitrary>], iteration_bounds = array<i64: 20>, scalar_prefetch = 0 : i64, scratch_operands = 0 : i64, tpu.core_type = #tpu.core_type<tc>, window_params = [{transform_indices = @transform_0, window_bounds = array<i64: 512, 256>}, {pipeline_mode = #tpu.pipeline_mode<synchronous>, transform_indices = @transform_1, window_bounds = array<i64: 256, 256>}, {transform_indices = @transform_2, window_bounds = array<i64: 512, 1>}, {transform_indices = @transform_3, window_bounds = array<i64: 512, 256>}]} {
    %get3A = arith.constant 0 : index
    %get3A_0 = arith.constant 0 : index
    %get3A_1 = vector.load %arg1[%get3A, %get3A_0] : memref<512x256xf32, #tpu.memory_space<vmem>>, vector<512x256xf32>
    %get3A_2 = arith.constant 0 : index
    %get3A_3 = arith.constant 0 : index
    %get3A_4 = vector.load %arg2[%get3A_2, %get3A_3] : memref<256x256xf32, #tpu.memory_space<vmem>>, vector<256x256xf32>
    %dot_general3A = arith.constant dense<0.000000e+00> : vector<512x256xf32>
    %dot_general3A_5 = tpu.matmul %get3A_1, %get3A_4, %dot_general3A {dimension_numbers = #tpu.dot_dimension_numbers<[1], [0], [0], [1], [0, 0, 1, 1], [], []>, transpose_lhs_hint = false} : vector<512x256xf32>, vector<256x256xf32>, vector<512x256xf32> -> vector<512x256xf32>
    %get3A_6 = arith.constant 0 : index
    %get3A_7 = arith.constant 0 : index
    %get3A_8 = vector.load %arg3[%get3A_6, %get3A_7] : memref<512x1xf32, #tpu.memory_space<vmem>>, vector<512x1xf32>
    %add3A = arith.constant 1.000000e+00 : f32
    %add3A_9 = vector.broadcast %add3A : f32 to vector<512x1xf32>
    %add3A_10 = arith.addf %get3A_8, %add3A_9 : vector<512x1xf32>
    %rsqrt3A = math.rsqrt %add3A_10 : vector<512x1xf32>
    %mul3A = vector.broadcast %rsqrt3A : vector<512x1xf32> to vector<512x256xf32>
    %mul3A_11 = arith.mulf %dot_general3A_5, %mul3A : vector<512x256xf32>
    %mul3A_12 = arith.constant 2.048000e+03 : f32
    %mul3A_13 = vector.broadcast %mul3A_12 : f32 to vector<512x256xf32>
    %mul3A_14 = arith.mulf %mul3A_11, %mul3A_13 : vector<512x256xf32>
    %round3A = math.roundeven %mul3A_14 : vector<512x256xf32>
    %jit3A = arith.constant -3.276700e+04 : f32
    %jit3A_15 = arith.constant 3.276700e+04 : f32
    %max3A = vector.broadcast %jit3A : f32 to vector<512x256xf32>
    %max3A_16 = arith.maximumf %max3A, %round3A : vector<512x256xf32>
    %min3A = vector.broadcast %jit3A_15 : f32 to vector<512x256xf32>
    %min3A_17 = arith.minimumf %min3A, %max3A_16 : vector<512x256xf32>
    %convert_element_type3A = arith.fptosi %min3A_17 : vector<512x256xf32> to vector<512x256xi16>
    %swap3A = arith.constant 0 : index
    %swap3A_18 = arith.constant 0 : index
    %swap3A_19 = vector.load %arg4[%swap3A, %swap3A_18] : memref<512x256xi16, #tpu.memory_space<vmem>>, vector<512x256xi16>
    tpu.vector_store %arg4[%swap3A, %swap3A_18], %convert_element_type3A {strides = array<i32>} : memref<512x256xi16, #tpu.memory_space<vmem>>, vector<512x256xi16>,
    return
  }
  func.func @transform_0(%arg0: i32) -> (i32, i32) {
    %c0_i32 = arith.constant 0 : i32
    %c0_i32_0 = arith.constant 0 : i32
    return %arg0, %c0_i32 : i32, i32
  }
  func.func @transform_1(%arg0: i32) -> (i32, i32) {
    %c0_i32 = arith.constant 0 : i32
    %c0_i32_0 = arith.constant 0 : i32
    %c0_i32_1 = arith.constant 0 : i32
    return %c0_i32, %c0_i32_0 : i32, i32
  }
  func.func @transform_2(%arg0: i32) -> (i32, i32) {
    %c0_i32 = arith.constant 0 : i32
    %c0_i32_0 = arith.constant 0 : i32
    return %arg0, %c0_i32 : i32, i32
  }
  func.func @transform_3(%arg0: i32) -> (i32, i32) {
    %c0_i32 = arith.constant 0 : i32
    %c0_i32_0 = arith.constant 0 : i32
    return %arg0, %c0_i32 : i32, i32
  }
}

module attributes {stable_mosaic.version = 14 : i64} {
  func.func @_mid_body(%arg0: i32, %arg1: memref<512x256xi16, #tpu.memory_space<vmem>>, %arg2: memref<512x256xi16, #tpu.memory_space<vmem>>, %arg3: memref<512x256xi16, #tpu.memory_space<vmem>>, %arg4: memref<512x1xf32, #tpu.memory_space<vmem>>, %arg5: memref<512x1xf32, #tpu.memory_space<vmem>>, %arg6: memref<1x256xf32, #tpu.memory_space<vmem>>, %arg7: memref<256x256xf32, #tpu.memory_space<vmem>>, %arg8: memref<512x256xi16, #tpu.memory_space<vmem>>) attributes {dimension_semantics = [#tpu.dimension_semantics<arbitrary>], iteration_bounds = array<i64: 20>, scalar_prefetch = 0 : i64, scratch_operands = 0 : i64, tpu.core_type = #tpu.core_type<tc>, window_params = [{transform_indices = @transform_0, window_bounds = array<i64: 512, 256>}, {transform_indices = @transform_1, window_bounds = array<i64: 512, 256>}, {transform_indices = @transform_2, window_bounds = array<i64: 512, 256>}, {transform_indices = @transform_3, window_bounds = array<i64: 512, 1>}, {transform_indices = @transform_4, window_bounds = array<i64: 512, 1>}, {pipeline_mode = #tpu.pipeline_mode<synchronous>, transform_indices = @transform_5, window_bounds = array<i64: 1, 256>}, {pipeline_mode = #tpu.pipeline_mode<synchronous>, transform_indices = @transform_6, window_bounds = array<i64: 256, 256>}, {transform_indices = @transform_7, window_bounds = array<i64: 512, 256>}]} {
    %get3A = arith.constant 0 : index
    %get3A_0 = arith.constant 0 : index
    %get3A_1 = vector.load %arg4[%get3A, %get3A_0] : memref<512x1xf32, #tpu.memory_space<vmem>>, vector<512x1xf32>
    %add3A = arith.constant 1.000000e+00 : f32
    %add3A_2 = vector.broadcast %add3A : f32 to vector<512x1xf32>
    %add3A_3 = arith.addf %get3A_1, %add3A_2 : vector<512x1xf32>
    %rsqrt3A = math.rsqrt %add3A_3 : vector<512x1xf32>
    %get3A_4 = arith.constant 0 : index
    %get3A_5 = arith.constant 0 : index
    %get3A_6 = vector.load %arg5[%get3A_4, %get3A_5] : memref<512x1xf32, #tpu.memory_space<vmem>>, vector<512x1xf32>
    %add3A_7 = arith.constant 1.000000e+00 : f32
    %add3A_8 = vector.broadcast %add3A_7 : f32 to vector<512x1xf32>
    %add3A_9 = arith.addf %get3A_6, %add3A_8 : vector<512x1xf32>
    %rsqrt3A_10 = math.rsqrt %add3A_9 : vector<512x1xf32>
    %get3A_11 = arith.constant 0 : index
    %get3A_12 = arith.constant 0 : index
    %get3A_13 = vector.load %arg1[%get3A_11, %get3A_12] : memref<512x256xi16, #tpu.memory_space<vmem>>, vector<512x256xi16>
    %convert_element_type3A = arith.sitofp %get3A_13 : vector<512x256xi16> to vector<512x256xf32>
    %get3A_14 = arith.constant 0 : index
    %get3A_15 = arith.constant 0 : index
    %get3A_16 = vector.load %arg2[%get3A_14, %get3A_15] : memref<512x256xi16, #tpu.memory_space<vmem>>, vector<512x256xi16>
    %convert_element_type3A_17 = arith.sitofp %get3A_16 : vector<512x256xi16> to vector<512x256xf32>
    %add3A_18 = arith.addf %convert_element_type3A, %convert_element_type3A_17 : vector<512x256xf32>
    %get3A_19 = arith.constant 0 : index
    %get3A_20 = arith.constant 0 : index
    %get3A_21 = vector.load %arg3[%get3A_19, %get3A_20] : memref<512x256xi16, #tpu.memory_space<vmem>>, vector<512x256xi16>
    %convert_element_type3A_22 = arith.sitofp %get3A_21 : vector<512x256xi16> to vector<512x256xf32>
    %add3A_23 = arith.addf %add3A_18, %convert_element_type3A_22 : vector<512x256xf32>
    %mul3A = arith.constant 4.8828125E-4 : f32
    %mul3A_24 = vector.broadcast %mul3A : f32 to vector<512x256xf32>
    %mul3A_25 = arith.mulf %add3A_23, %mul3A_24 : vector<512x256xf32>
    %mul3A_26 = vector.broadcast %rsqrt3A : vector<512x1xf32> to vector<512x256xf32>
    %mul3A_27 = arith.mulf %mul3A_25, %mul3A_26 : vector<512x256xf32>
    %get3A_28 = arith.constant 0 : index
    %get3A_29 = arith.constant 0 : index
    %get3A_30 = vector.load %arg6[%get3A_28, %get3A_29] : memref<1x256xf32, #tpu.memory_space<vmem>>, vector<1x256xf32>
    %add3A_31 = vector.broadcast %get3A_30 : vector<1x256xf32> to vector<512x256xf32>
    %add3A_32 = arith.addf %mul3A_27, %add3A_31 : vector<512x256xf32>
    %max3A = arith.constant 0.000000e+00 : f32
    %max3A_33 = vector.broadcast %max3A : f32 to vector<512x256xf32>
    %max3A_34 = arith.maximumf %add3A_32, %max3A_33 : vector<512x256xf32>
    %get3A_35 = arith.constant 0 : index
    %get3A_36 = arith.constant 0 : index
    %get3A_37 = vector.load %arg7[%get3A_35, %get3A_36] : memref<256x256xf32, #tpu.memory_space<vmem>>, vector<256x256xf32>
    %dot_general3A = arith.constant dense<0.000000e+00> : vector<512x256xf32>
    %dot_general3A_38 = tpu.matmul %max3A_34, %get3A_37, %dot_general3A {dimension_numbers = #tpu.dot_dimension_numbers<[1], [0], [0], [1], [0, 0, 1, 1], [], []>, transpose_lhs_hint = false} : vector<512x256xf32>, vector<256x256xf32>, vector<512x256xf32> -> vector<512x256xf32>
    %mul3A_39 = vector.broadcast %rsqrt3A_10 : vector<512x1xf32> to vector<512x256xf32>
    %mul3A_40 = arith.mulf %dot_general3A_38, %mul3A_39 : vector<512x256xf32>
    %mul3A_41 = arith.constant 8.192000e+03 : f32
    %mul3A_42 = vector.broadcast %mul3A_41 : f32 to vector<512x256xf32>
    %mul3A_43 = arith.mulf %mul3A_40, %mul3A_42 : vector<512x256xf32>
    %round3A = math.roundeven %mul3A_43 : vector<512x256xf32>
    %jit3A = arith.constant -3.276700e+04 : f32
    %jit3A_44 = arith.constant 3.276700e+04 : f32
    %max3A_45 = vector.broadcast %jit3A : f32 to vector<512x256xf32>
    %max3A_46 = arith.maximumf %max3A_45, %round3A : vector<512x256xf32>
    %min3A = vector.broadcast %jit3A_44 : f32 to vector<512x256xf32>
    %min3A_47 = arith.minimumf %min3A, %max3A_46 : vector<512x256xf32>
    %convert_element_type3A_48 = arith.fptosi %min3A_47 : vector<512x256xf32> to vector<512x256xi16>
    %swap3A = arith.constant 0 : index
    %swap3A_49 = arith.constant 0 : index
    %swap3A_50 = vector.load %arg8[%swap3A, %swap3A_49] : memref<512x256xi16, #tpu.memory_space<vmem>>, vector<512x256xi16>
    tpu.vector_store %arg8[%swap3A, %swap3A_49], %convert_element_type3A_48 {strides = array<i32>} : memref<512x256xi16, #tpu.memory_space<vmem>>, vector<512x256xi16>,
    return
  }
  func.func @transform_0(%arg0: i32) -> (i32, i32) {
    %c0_i32 = arith.constant 0 : i32
    %c0_i32_0 = arith.constant 0 : i32
    return %arg0, %c0_i32 : i32, i32
  }
  func.func @transform_1(%arg0: i32) -> (i32, i32) {
    %c0_i32 = arith.constant 0 : i32
    %c0_i32_0 = arith.constant 0 : i32
    return %arg0, %c0_i32 : i32, i32
  }
  func.func @transform_2(%arg0: i32) -> (i32, i32) {
    %c0_i32 = arith.constant 0 : i32
    %c0_i32_0 = arith.constant 0 : i32
    return %arg0, %c0_i32 : i32, i32
  }
  func.func @transform_3(%arg0: i32) -> (i32, i32) {
    %c0_i32 = arith.constant 0 : i32
    %c0_i32_0 = arith.constant 0 : i32
    return %arg0, %c0_i32 : i32, i32
  }
  func.func @transform_4(%arg0: i32) -> (i32, i32) {
    %c0_i32 = arith.constant 0 : i32
    %c0_i32_0 = arith.constant 0 : i32
    return %arg0, %c0_i32 : i32, i32
  }
  func.func @transform_5(%arg0: i32) -> (i32, i32) {
    %c0_i32 = arith.constant 0 : i32
    %c0_i32_0 = arith.constant 0 : i32
    %c0_i32_1 = arith.constant 0 : i32
    return %c0_i32, %c0_i32_0 : i32, i32
  }
  func.func @transform_6(%arg0: i32) -> (i32, i32) {
    %c0_i32 = arith.constant 0 : i32
    %c0_i32_0 = arith.constant 0 : i32
    %c0_i32_1 = arith.constant 0 : i32
    return %c0_i32, %c0_i32_0 : i32, i32
  }
  func.func @transform_7(%arg0: i32) -> (i32, i32) {
    %c0_i32 = arith.constant 0 : i32
    %c0_i32_0 = arith.constant 0 : i32
    return %arg0, %c0_i32 : i32, i32
  }
}

module attributes {stable_mosaic.version = 14 : i64} {
  func.func @_out_body(%arg0: i32, %arg1: memref<512x256xi16, #tpu.memory_space<vmem>>, %arg2: memref<512x256xi16, #tpu.memory_space<vmem>>, %arg3: memref<512x256xi16, #tpu.memory_space<vmem>>, %arg4: memref<512x1xf32, #tpu.memory_space<vmem>>, %arg5: memref<1x256xf32, #tpu.memory_space<vmem>>, %arg6: memref<512x256xf32, #tpu.memory_space<vmem>>) attributes {dimension_semantics = [#tpu.dimension_semantics<arbitrary>], iteration_bounds = array<i64: 20>, scalar_prefetch = 0 : i64, scratch_operands = 0 : i64, tpu.core_type = #tpu.core_type<tc>, window_params = [{transform_indices = @transform_0, window_bounds = array<i64: 512, 256>}, {transform_indices = @transform_1, window_bounds = array<i64: 512, 256>}, {transform_indices = @transform_2, window_bounds = array<i64: 512, 256>}, {transform_indices = @transform_3, window_bounds = array<i64: 512, 1>}, {pipeline_mode = #tpu.pipeline_mode<synchronous>, transform_indices = @transform_4, window_bounds = array<i64: 1, 256>}, {transform_indices = @transform_5, window_bounds = array<i64: 512, 256>}]} {
    %get3A = arith.constant 0 : index
    %get3A_0 = arith.constant 0 : index
    %get3A_1 = vector.load %arg4[%get3A, %get3A_0] : memref<512x1xf32, #tpu.memory_space<vmem>>, vector<512x1xf32>
    %add3A = arith.constant 1.000000e+00 : f32
    %add3A_2 = vector.broadcast %add3A : f32 to vector<512x1xf32>
    %add3A_3 = arith.addf %get3A_1, %add3A_2 : vector<512x1xf32>
    %rsqrt3A = math.rsqrt %add3A_3 : vector<512x1xf32>
    %get3A_4 = arith.constant 0 : index
    %get3A_5 = arith.constant 0 : index
    %get3A_6 = vector.load %arg1[%get3A_4, %get3A_5] : memref<512x256xi16, #tpu.memory_space<vmem>>, vector<512x256xi16>
    %convert_element_type3A = arith.sitofp %get3A_6 : vector<512x256xi16> to vector<512x256xf32>
    %get3A_7 = arith.constant 0 : index
    %get3A_8 = arith.constant 0 : index
    %get3A_9 = vector.load %arg2[%get3A_7, %get3A_8] : memref<512x256xi16, #tpu.memory_space<vmem>>, vector<512x256xi16>
    %convert_element_type3A_10 = arith.sitofp %get3A_9 : vector<512x256xi16> to vector<512x256xf32>
    %add3A_11 = arith.addf %convert_element_type3A, %convert_element_type3A_10 : vector<512x256xf32>
    %get3A_12 = arith.constant 0 : index
    %get3A_13 = arith.constant 0 : index
    %get3A_14 = vector.load %arg3[%get3A_12, %get3A_13] : memref<512x256xi16, #tpu.memory_space<vmem>>, vector<512x256xi16>
    %convert_element_type3A_15 = arith.sitofp %get3A_14 : vector<512x256xi16> to vector<512x256xf32>
    %add3A_16 = arith.addf %add3A_11, %convert_element_type3A_15 : vector<512x256xf32>
    %mul3A = arith.constant 1.22070313E-4 : f32
    %mul3A_17 = vector.broadcast %mul3A : f32 to vector<512x256xf32>
    %mul3A_18 = arith.mulf %add3A_16, %mul3A_17 : vector<512x256xf32>
    %mul3A_19 = vector.broadcast %rsqrt3A : vector<512x1xf32> to vector<512x256xf32>
    %mul3A_20 = arith.mulf %mul3A_18, %mul3A_19 : vector<512x256xf32>
    %get3A_21 = arith.constant 0 : index
    %get3A_22 = arith.constant 0 : index
    %get3A_23 = vector.load %arg5[%get3A_21, %get3A_22] : memref<1x256xf32, #tpu.memory_space<vmem>>, vector<1x256xf32>
    %add3A_24 = vector.broadcast %get3A_23 : vector<1x256xf32> to vector<512x256xf32>
    %add3A_25 = arith.addf %mul3A_20, %add3A_24 : vector<512x256xf32>
    %logistic3A = arith.negf %add3A_25 : vector<512x256xf32>
    %logistic3A_26 = math.exp %logistic3A : vector<512x256xf32>
    %logistic3A_27 = arith.constant 1.000000e+00 : f32
    %logistic3A_28 = vector.broadcast %logistic3A_27 : f32 to vector<512x256xf32>
    %logistic3A_29 = arith.addf %logistic3A_28, %logistic3A_26 : vector<512x256xf32>
    %logistic3A_30 = arith.divf %logistic3A_28, %logistic3A_29 : vector<512x256xf32>
    %swap3A = arith.constant 0 : index
    %swap3A_31 = arith.constant 0 : index
    %swap3A_32 = vector.load %arg6[%swap3A, %swap3A_31] : memref<512x256xf32, #tpu.memory_space<vmem>>, vector<512x256xf32>
    tpu.vector_store %arg6[%swap3A, %swap3A_31], %logistic3A_30 {strides = array<i32>} : memref<512x256xf32, #tpu.memory_space<vmem>>, vector<512x256xf32>,
    return
  }
  func.func @transform_0(%arg0: i32) -> (i32, i32) {
    %c0_i32 = arith.constant 0 : i32
    %c0_i32_0 = arith.constant 0 : i32
    return %arg0, %c0_i32 : i32, i32
  }
  func.func @transform_1(%arg0: i32) -> (i32, i32) {
    %c0_i32 = arith.constant 0 : i32
    %c0_i32_0 = arith.constant 0 : i32
    return %arg0, %c0_i32 : i32, i32
  }
  func.func @transform_2(%arg0: i32) -> (i32, i32) {
    %c0_i32 = arith.constant 0 : i32
    %c0_i32_0 = arith.constant 0 : i32
    return %arg0, %c0_i32 : i32, i32
  }
  func.func @transform_3(%arg0: i32) -> (i32, i32) {
    %c0_i32 = arith.constant 0 : i32
    %c0_i32_0 = arith.constant 0 : i32
    return %arg0, %c0_i32 : i32, i32
  }
  func.func @transform_4(%arg0: i32) -> (i32, i32) {
    %c0_i32 = arith.constant 0 : i32
    %c0_i32_0 = arith.constant 0 : i32
    %c0_i32_1 = arith.constant 0 : i32
    return %c0_i32, %c0_i32_0 : i32, i32
  }
  func.func @transform_5(%arg0: i32) -> (i32, i32) {
    %c0_i32 = arith.constant 0 : i32
    %c0_i32_0 = arith.constant 0 : i32
    return %arg0, %c0_i32 : i32, i32
  }
}

</mosaic_0001>

<sc_bundles>
// kernel: kernel.11.cloned.1.call-start
scs
__scs_entry_jumppad:
0x0: {  	(pc) =	sbr.rel $0x88, $3  }
0x1: {  	(tag) =	ssettag $0x0;
	lr =	simm.s32 $0x1  }
0x2: {  	[smem:$0x3F9B] =	sst lr;
	_ =	strace $0xD0000000  }
0x3: {  	_ = 	snop  }
0x4: {  	_ = 	snop  }
0x5: {  	_ = 	snop  }
0x6: {  	_ = 	snop  }
0x7: {  	_ = 	snop  }
__scs_overlays_trampoline_lowered:
0x8: {  	[smem:$0x3FAA] =	sst s0  }
0x9: {  	[smem:$0x3FAB] =	sst s1  }
0xa: {  	[smem:$0x3FAC] =	sst s2  }
0xb: {  	[smem:$0x3FAD] =	sst s3  }
0xc: {  	[smem:$0x3FAE] =	sst s4  }
0xd: {  	[smem:$0x3FAF] =	sst s5  }
0xe: {  	[smem:$0x3FB0] =	sst s6  }
0xf: {  	[smem:$0x3FB1] =	sst s7  }
0x10: {  	[smem:$0x3FB2] =	sst s8  }
0x11: {  	[smem:$0x3FB3] =	sst s9;
	s0 =	simm.s32 @!p0 $0x0  }
0x12: {  	s1 =	sld [smem:$0x3F99];
	s0 =	simm.s32 @p0 $0x1  }
0x13: {  	[smem:$0x3FB4] =	sst s0;
	s0 =	simm.s32 @!p1 $0x0  }
0x14: {  	s2 =	sld [smem:$0x3F98];
	s0 =	simm.s32 @p1 $0x1  }
0x15: {  	[smem:$0x3FB5] =	sst s0;
	s0 =	simm.s32 @!p2 $0x0  }
0x16: {  	s3 =	sld [smem:$0x3FDB];
	s0 =	simm.s32 @p2 $0x1  }
0x17: {  	s4 =	simm.s32 $0x1BF5;
	[smem:$0x3FB7] =	sst s0  }
0x18: {  	s0 =	sld [smem:$0x3F9A];
	_ =	swait.ge [sflag:s4], $0x0  }
0x19: {  	s7 =	sld [smem:$0x3F9B]  }
0x1a: {  	s8 =	sadd.s32 $0xFFFFE003, lr  }
0x1b: {  	s9 =	sadd.s32 $0xFFFFFEF7, lr;
	s5 =	simm.s32 $0xFFFFFFFF;
	p2 =	slt.u32 s8, $0xFFFFF086  }
0x1c: {  	p1 =	slt.u32 s9, $0xF7A;
	s5 =	simm.s32 @!p2 $0x0  }
0x1d: {  	s5 =	simm.s32 @p1 $0x1;
	p0 =	seq.s32 s7, s2  }
0x1e: {  	s7 =	smul.u32 @!p0 $0xF7A, s2;
	p2 =	seq.s32 @!p0 s5, $0x0  }
0x1f: {  	s9 =	smul.u32 $0xF7A, s1;
	s8 =	simm.s32 @!p0 $0x1BF5;
	p2 =	por !p2, p0  }
0x20: {  	[sflag:s8] =	ssyncset.s32 @!p0 $0xFFFFF086;
	s6 =	sadd.s32 @!p0 s3, s7;
	s7 =	simm.s32 @!p0 $0x108  }
0x21: {  	s3 =	sadd.s32 s3, s9;
	s6 =	sadd.s32 @!p0 $0x88, s6;
	s7 =	simm.s32 @p2 $0x1082  }
0x22: {  	[simem:s7], [sflag:s8] =	dma.local @!p0 [hbm:s6], $0xF7A  }
0x23: {  	s9 =	sor.u32 $0xD0000000, s2;
	s6 =	simm.s32 $0x108;
	_ =	swait.ge @!p0 [sflag:s8], $0x0  }
0x24: {  	s3 =	sadd.s32 $0x88, s3;
	s6 =	simm.s32 @!p1 $0x1082;
	[sflag:s4] =	ssyncset.s32 $0xFFFFF086  }
0x25: {  	[simem:s6], [sflag:s4] =	dma.local [hbm:s3], $0xF7A  }
0x26: {  	[smem:$0x3F9B] =	sst s1;
	(tag) =	ssettag s2;
	_ =	strace s9  }
0x27: {  	s1 =	sld [smem:$0x3FAB]  }
0x28: {  	s2 =	sld [smem:$0x3FAC]  }
0x29: {  	s4 =	sld [smem:$0x3FAE]  }
0x2a: {  	p0 =	seq.s32 s5, $0x0;
	s5 =	sld [smem:$0x3FAF]  }
0x2b: {  	s6 =	sld [smem:$0x3FB0]  }
0x2c: {  	s7 =	sld [smem:$0x3FB1]  }
0x2d: {  	s3 =	simm.s32 $0x108;
	s8 =	sld [smem:$0x3FB2]  }
0x2e: {  	s3 =	simm.s32 @!p0 $0x1082;
	s9 =	sld [smem:$0x3FB3]  }
0x2f: {  	lr =	sadd.s32 s0, s3;
	s0 =	sld [smem:$0x3FAA]  }
0x30: {  	s3 =	sld [smem:$0x3FAD]  }
0x31: {  	[smem:$0x3FB6] =	sst s10  }
0x32: {  	s10 =	sld [smem:$0x3FB4];
	_ =	sdelay $0x3  }
0x33: {  	p0 =	seq.s32 s10, $0x1;
	s10 =	sld [smem:$0x3FB6];
	_ =	sdelay $0x3  }
0x34: {  	[smem:$0x3FB6] =	sst s10  }
0x35: {  	s10 =	sld [smem:$0x3FB5];
	_ =	sdelay $0x3  }
0x36: {  	p1 =	seq.s32 s10, $0x1;
	s10 =	sld [smem:$0x3FB6];
	_ =	sdelay $0x3  }
0x37: {  	[smem:$0x3FB6] =	sst s10  }
0x38: {  	s10 =	sld [smem:$0x3FB7]  }
0x39: {  	_ = 	snop;
	(pc) =	sbr.ind lr, $3  }
0x3a: {  	_ = 	snop  }
0x3b: {  	_ = 	snop  }
0x3c: {  	p2 =	seq.s32 s10, $0x1;
	s10 =	sld [smem:$0x3FB6]  }
0x3d: {  	_ =	shalt  }
0x3e: {  	_ =	shalt  }
0x3f: {  	_ =	shalt  }
0x40: {  	_ =	shalt  }
0x41: {  	_ =	shalt  }
0x42: {  	_ =	shalt  }
0x43: {  	_ =	shalt  }
0x44: {  	_ =	shalt  }
0x45: {  	_ =	shalt  }
0x46: {  	_ =	shalt  }
0x47: {  	_ =	shalt  }
0x48: {  	_ =	shalt  }
0x49: {  	_ =	shalt  }
0x4a: {  	_ =	shalt  }
0x4b: {  	_ =	shalt  }
0x4c: {  	_ =	shalt  }
0x4d: {  	_ =	shalt  }
0x4e: {  	_ =	shalt  }
0x4f: {  	_ =	shalt  }
0x50: {  	_ =	shalt  }
0x51: {  	_ =	shalt  }
0x52: {  	_ =	shalt  }
0x53: {  	_ =	shalt  }
0x54: {  	_ =	shalt  }
0x55: {  	_ =	shalt  }
0x56: {  	_ =	shalt  }
0x57: {  	_ =	shalt  }
0x58: {  	_ =	shalt  }
0x59: {  	_ =	shalt  }
0x5a: {  	_ =	shalt  }
0x5b: {  	_ =	shalt  }
0x5c: {  	_ =	shalt  }
0x5d: {  	_ =	shalt  }
0x5e: {  	_ =	shalt  }
0x5f: {  	_ =	shalt  }
0x60: {  	_ =	shalt  }
0x61: {  	_ =	shalt  }
0x62: {  	_ =	shalt  }
0x63: {  	_ =	shalt  }
0x64: {  	_ =	shalt  }
0x65: {  	_ =	shalt  }
0x66: {  	_ =	shalt  }
0x67: {  	_ =	shalt  }
0x68: {  	_ =	shalt  }
0x69: {  	_ =	shalt  }
0x6a: {  	_ =	shalt  }
0x6b: {  	_ =	shalt  }
0x6c: {  	_ =	shalt  }
0x6d: {  	_ =	shalt  }
0x6e: {  	_ =	shalt  }
0x6f: {  	_ =	shalt  }
0x70: {  	_ =	shalt  }
0x71: {  	_ =	shalt  }
0x72: {  	_ =	shalt  }
0x73: {  	_ =	shalt  }
0x74: {  	_ =	shalt  }
0x75: {  	_ =	shalt  }
0x76: {  	_ =	shalt  }
0x77: {  	_ =	shalt  }
0x78: {  	_ =	shalt  }
0x79: {  	_ =	shalt  }
0x7a: {  	_ =	shalt  }
0x7b: {  	_ =	shalt  }
0x7c: {  	_ =	shalt  }
0x7d: {  	_ =	shalt  }
0x7e: {  	_ =	shalt  }
0x7f: {  	_ =	shalt  }
0x80: {  	_ =	shalt  }
0x81: {  	_ =	shalt  }
0x82: {  	_ =	shalt  }
0x83: {  	_ =	shalt  }
0x84: {  	_ =	shalt  }
0x85: {  	_ =	shalt  }
0x86: {  	_ =	shalt  }
0x87: {  	_ =	shalt  }
.Lfunc_end0:
.L_simem_size_0:
called_computation.1_lowered:
.L_overlay_start_0:
0x88: {  	s2 =	sld [smem:$0x3FD9]  }
0x89: {  	s3 =	sld [smem:$0x3FFE];
	_ =	sdelay $0x1  }
0x8a: {  	s1 =	srdreg.scid  }
0x8b: {  	s0 =	sand.u32 $0x1, s1  }
0x8c: {  	s17 =	sshll.u32 s0, $0xA;
	s2 =	sadd.s32 s3, s2  }
0x8d: {  	s2 =	sadd.s32 s2, s17  }
0x8e: {  	[smem:$0x3FC2] =	sst s2  }
0x8f: {  	_ = 	snop  }
0x90: {  	s2 =	sld [smem:$0x3FD0];
	(tm) =	ssettm $0x1  }
0x91: {  	s18 =	sld [smem:$0x3FFB];
	_ =	sdelay $0x3  }
0x92: {  	_ =	strace s18  }
0x93: {  	s3 =	sld [smem:$0x3FFC];
	_ =	sdelay $0x3  }
0x94: {  	_ =	strace s3  }
0x95: {  	s3 =	sld [smem:$0x3FFD];
	_ =	sdelay $0x3  }
0x96: {  	_ =	strace s3  }
0x97: {  	_ =	strace $0x8FFFFFFF  }
0x98: {  	s19 =	sld [smem:$0x3FDB];
	_ =	sdelay $0x1  }
0x99: {  	s4 =	simm.s32 $_scs_section_size  }
0x9a: {  	s5 =	simm.s32 $_size__tile_overlayer_lowered;
	s6 =	simm.s32 $_tile_overlayer_lowered  }
0x9b: {  	s22 =	simm.s32 $0x1BFF;
	s21 =	sshll.u32 s6, $0x1;
	s3 =	sadd.s32 s4, s19  }
0x9c: {  	s7 =	simm.s32 $0x0;
	s20 =	sshll.u32 s5, $0x1;
	s5 =	sadd.s32 s21, s3  }
0x9d: {  	[timem:s7], [sflag:s22] =	dma.local [hbm:s5], s20  }
0x9e: {  	_ =	swait.ge [sflag:s22], s20  }
0x9f: {  	s4 =	ssub.s32 $0x0, s20;
	[sflag:s22] =	ssyncset.done $0x0  }
0xa0: {  	[sflag:s22] =	ssyncadd.s32 s4;
	_ =	sdelay $0x1  }
0xa1: {  	s23 =	simm.s32 $0x1B8B  }
0xa2: {  	_ =	swait.ge [sflag:s23], $0x1  }
0xa3: {  	[sflag:s23] =	ssyncset.done $0x0  }
0xa4: {  	s25 =	simm.s32 $0x1B8E;
	s24 =	sld [smem:$0x3FFE];
	[sflag:s23] =	ssyncadd.s32 $0xFFFFFFFF  }
0xa5: {  	s26 =	simm.s32 $execute0_lowered;
	[smem:$0x3FD2] =	sst s25  }
0xa6: {  	s5 =	sshll.u32 s26, $0x1;
	_ =	strace $0x80000049;
	[dreg:$0x1] =	wrdreg $0xFFFFFFFF  }
0xa7: {  	s28 =	simm.s32 $_size_execute0_lowered;
	s3 =	sadd.s32 s3, s5;
	[dreg:$0x0] =	wrdreg $0x0  }
0xa8: {  	s5 =	sshll.u32 s28, $0x1;
	[dreg:$0x2] =	wrdreg s3  }
0xa9: {  	[dreg:$0x3] =	wrdreg s5  }
0xaa: {  	[dreg:$0x4] =	wrdreg $0xC0  }
0xab: {  	_ =	task [dreg:s7], $0x5FFFF  }
0xac: {  	[dreg:$0x1] =	wrdreg $0xFFFFFFFF  }
0xad: {  	[dreg:$0x0] =	wrdreg $0x60  }
0xae: {  	[dreg:$0x2] =	wrdreg s2  }
0xaf: {  	[dreg:$0x3] =	wrdreg s24  }
0xb0: {  	[dreg:$0x4] =	wrdreg $0x78000  }
0xb1: {  	[dreg:$0x5] =	wrdreg $0x9  }
0xb2: {  	_ =	task.clear_ibuf [dreg:s7], $0x6FFFF;
	_ =	strace $0x90000049  }
0xb3: {  	s29 =	simm.s32 $0x9;
	_ =	strace $0x8000004B  }
0xb4: {  	_ =	swait.ge [sflag:s29], $0x1  }
0xb5: {  	[sflag:s29] =	ssyncadd.s32 $0xFFFFFFFF  }
0xb6: {  	_ =	strace $0x9000004B  }
0xb7: {  	_ =	sfence  }
0xb8: {  	s30 =	sld [smem:$0x0];
	_ =	sdelay $0x2  }
0xb9: {  	s31 =	sshll.u32 s1, $0xD;
	s1 =	sshrl.u32 s1, $0x2  }
0xba: {  	s3 =	sand.u32 $0x4000, s31;
	s1 =	sadd.s32 s1, s30  }
0xbb: {  	s0 =	sor.u32 s3, s0;
	s1 =	sshll.u32 s1, $0x11  }
0xbc: {  	s0 =	sor.u32 s1, s0  }
0xbd: {  	s0 =	sadd.s32 $0x8F2B, s0  }
0xbe: {  	[sflag:s0] =	ssyncadd.remote.s32 $0x1  }
0xbf: {  	_ =	sfence.sel $0xFFFF  }
0xc0: {  	[dreg:$0x0] =	wrdreg $0xFFFFFFFF;
	(pc) =	sbr.abs _section_cstart, $3  }
0xc1: {  	[dreg:$0x1] =	wrdreg $0xFFFFFFFF  }
0xc2: {  	_ =	task.clear_ibuf [dreg:s7], $0x2FFFF;
	_ =	strace $0x9FFFFFFF  }
0xc3: {  	(tm) =	ssettm $0x7FFFFFFF  }
tec
execute0_lowered:
.L_overlay_start_1:
0x0: {  	(tag) =	ssettag $0x1  }
0x1: {  	s1 =	rddreg [dreg:$0x0];
	s2 =	srdreg.scid  }
0x2: {  	s8 =	rddreg [dreg:$0x1];
	s0 =	stileid.u32  }
0x3: {  	s3 =	rddreg [dreg:$0x2];
	s4 =	simm.s32 $0x0;
	s13 =	simm.s32 $0x40A00  }
0x4: {  	s15 =	simm.s32 $0x2800;
	s16 =	simm.s32 $0x5000;
	s17 =	simm.s32 $0x1  }
0x5: {  	s18 =	simm.s32 $0x2;
	s19 =	simm.s32 $0x2760;
	s20 =	simm.s32 $0x27B0  }
0x6: {  	s21 =	simm.s32 $0x0;
	s6 =	sand.u32 $0x1, s2;
	s2 =	rddreg [dreg:$0x3]  }
0x7: {  	s12 =	sshll.u32 s0, $0x6;
	[smem:$0x7FF] =	sst s4;
	s11 =	smul.u32 $0x28000, s0  }
0x8: {  	s5 =	sshll.u32 s6, $0xA;
	s7 =	ssub.s32 $0x2, s6;
	_ =	strace $0x8000004A  }
0x9: {  	p0 =	seq.s32 s6, $0x1;
	s5 =	sor.u32 s12, s5;
	s9 =	sshrl.u32 s7, $0x1  }
0xa: {  	s13 =	simm.s32 @!p0 $0x68A00;
	s31 =	sshrl.u32 s11, $0x1;
	s5 =	smul.u32 $0xA, s5  }
0xb: {  	s11 =	sshrl.u32 s11, $0x4;
	s12 =	sor.u32 $0x1C03, s12;
	s9 =	ssub.s32 s7, s9  }
0xc: {  	s13 =	sadd.s32 s13, s8;
	s14 =	sadd.s32 s31, s3;
	s10 =	sadd.s32 s5, s8  }
0xd: {  	s5 =	sadd.s32 $0x16200, s8;
	s8 =	smax.u32 s9, $0x1;
	s9 =	sadd.s32 s13, s11  }
0xe: {  	s11 =	simm.s32 $0x1400;
	s13 =	sshrl.u32 s14, $0x3;
	s14 =	simm.s32 $0x50  }
0xf: {  	s6 =	sadd.s32 $0x8000, s10;
	s7 =	sadd.s32 $0x3000, s10;
	s10 =	simm.s32 $0x3  }
.LBB2_1:
0x10: {  	[tilespmem:s4], [sflag:$0x3] =	stream.linear.gather [hbm4b:s6+s4], $0x1400, $0x38;
	[tilespmem:$0x1B800] =	vst v63  }
0x11: {  	_ =	swait.ge [sflag:s10], $0x1400  }
0x12: {  	[sflag:s10] =	ssyncset.done $0x0  }
0x13: {  	[sflag:s10] =	ssyncadd.s32 $0xFFFFEC00  }
0x14: {  	[tilespmem:s11], [sflag:$0x3] =	stream.linear.gather [hbm4b:s7+s4], $0x1400, $0x38;
	[tilespmem:$0x1B800] =	vst v63  }
0x15: {  	_ =	swait.ge [sflag:s10], $0x1400  }
0x16: {  	[sflag:s10] =	ssyncset.done $0x0  }
0x17: {  	[sflag:s10] =	ssyncadd.s32 $0xFFFFEC00  }
0x18: {  	[spmem:s13], [sflag:s12] =	dma.local [hbm:s5], $0x2800  }
0x19: {  	_ =	swait.ge [sflag:s10], $0x2800  }
0x1a: {  	[sflag:s10] =	ssyncset.done $0x0  }
0x1b: {  	[sflag:s10] =	ssyncadd.s32 $0xFFFFD800  }
0x1c: {  	[bflag:$0x0] =	sbarrier.arrive $0xFFFF  }
0x1d: {  	[tilespmem:s15], [sflag:$0x1] =	stream.indirect.gather [hbm4b:s1+s14], $0x80, s4, s14, $0xb8;
	[tilespmem:$0x1B800] =	vst v63  }
0x1e: {  	_ = 	snop  }
0x1f: {  	[tilespmem:s16], [sflag:$0x2] =	stream.indirect.gather [hbm4b:s1+s14], $0x80, s14, s14, $0xb8;
	[tilespmem:$0x1B800] =	vst v63  }
0x20: {  	_ =	swait.ge [sflag:s17], $0x2800  }
0x21: {  	[sflag:s17] =	ssyncset.done $0x0  }
0x22: {  	s22 =	simm.s32 $0x1400;
	[sflag:s17] =	ssyncadd.s32 $0xFFFFD800  }
0x23: {  	[spmem:s3] =	stream.indirect.scatter.add.s16 [tilespmem:s15], [sflag:$0x3], $0x80, s22, s14, $0xb8;
	[tilespmem:$0x1B800] =	vst v63  }
0x24: {  	_ =	swait.ge [sflag:s10], $0x2800  }
0x25: {  	[sflag:s10] =	ssyncset.done $0x0  }
0x26: {  	s30 =	simm.s32 $0xA0;
	[sflag:s10] =	ssyncadd.s32 $0xFFFFD800  }
0x27: {  	[tilespmem:s15], [sflag:$0x1] =	stream.indirect.gather [hbm4b:s1+s14], $0x80, s30, s14, $0xb8;
	[tilespmem:$0x1B800] =	vst v63  }
0x28: {  	_ =	swait.ge [sflag:s18], $0x2800  }
0x29: {  	[sflag:s18] =	ssyncset.done $0x0  }
0x2a: {  	s31 =	simm.s32 $0x1450;
	[sflag:s18] =	ssyncadd.s32 $0xFFFFD800  }
0x2b: {  	[spmem:s3] =	stream.indirect.scatter.add.s16 [tilespmem:s16], [sflag:$0x3], $0x80, s31, s14, $0xb8;
	[tilespmem:$0x1B800] =	vst v63  }
0x2c: {  	_ =	swait.ge [sflag:s10], $0x2800  }
0x2d: {  	[sflag:s10] =	ssyncset.done $0x0  }
0x2e: {  	s23 =	simm.s32 $0xF0;
	s22 =	simm.s32 $0x280;
	[sflag:s10] =	ssyncadd.s32 $0xFFFFD800  }
.LBB2_2:
0x2f: {  	[tilespmem:s16], [sflag:$0x2] =	stream.indirect.gather [hbm4b:s1+s14], $0x80, s23, s14, $0xb8;
	[tilespmem:$0x1B800] =	vst v63  }
0x30: {  	s23 =	smov.u32 s22  }
0x31: {  	p0 =	sne.s32 s22, $0x4B00;
	s22 =	sadd.s32 $0x280, s22;
	_ =	swait.ge [sflag:s17], $0x2800  }
0x32: {  	s23 =	sshra.s32 s23, $0x2;
	[sflag:s17] =	ssyncset.done $0x0  }
0x33: {  	s24 =	sadd.s32 $0x1400, s23;
	[sflag:s17] =	ssyncadd.s32 $0xFFFFD800  }
0x34: {  	[spmem:s3] =	stream.indirect.scatter.add.s16 [tilespmem:s15], [sflag:$0x3], $0x80, s24, s14, $0xb8;
	[tilespmem:$0x1B800] =	vst v63  }
0x35: {  	_ =	swait.ge [sflag:s10], $0x2800  }
0x36: {  	[sflag:s10] =	ssyncset.done $0x0  }
0x37: {  	s24 =	sadd.s32 $0xA0, s23;
	[sflag:s10] =	ssyncadd.s32 $0xFFFFD800  }
0x38: {  	[tilespmem:s15], [sflag:$0x1] =	stream.indirect.gather [hbm4b:s1+s14], $0x80, s24, s14, $0xb8;
	[tilespmem:$0x1B800] =	vst v63  }
0x39: {  	_ =	swait.ge [sflag:s18], $0x2800  }
0x3a: {  	[sflag:s18] =	ssyncset.done $0x0  }
.Ltmp0:
0x3b: {  	s24 =	sadd.s32 $0x1450, s23;
	[sflag:s18] =	ssyncadd.s32 $0xFFFFD800;
	(pc) =	sbr.rel @p0 .LBB2_2-.Ltmp0, $4  }
0x3c: {  	[spmem:s3] =	stream.indirect.scatter.add.s16 [tilespmem:s16], [sflag:$0x3], $0x80, s24, s14, $0xb8;
	[tilespmem:$0x1B800] =	vst v63  }
0x3d: {  	_ =	swait.ge [sflag:s10], $0x2800  }
0x3e: {  	[sflag:s10] =	ssyncset.done $0x0  }
0x3f: {  	s23 =	sadd.s32 $0xF0, s23;
	[sflag:s10] =	ssyncadd.s32 $0xFFFFD800  }
0x40: {  	[tilespmem:s16], [sflag:$0x2] =	stream.indirect.gather [hbm4b:s1+s14], $0x80, s23, s14, $0xb8;
	[tilespmem:$0x1B800] =	vst v63  }
0x41: {  	_ =	swait.ge [sflag:s17], $0x2800  }
0x42: {  	[sflag:s17] =	ssyncset.done $0x0  }
0x43: {  	[sflag:s17] =	ssyncadd.s32 $0xFFFFD800  }
0x44: {  	[spmem:s3] =	stream.indirect.scatter.add.s16 [tilespmem:s15], [sflag:$0x3], $0x80, s19, s14, $0xb8;
	[tilespmem:$0x1B800] =	vst v63  }
0x45: {  	_ =	swait.ge [sflag:s10], $0x2800  }
0x46: {  	[sflag:s10] =	ssyncset.done $0x0  }
0x47: {  	[sflag:s10] =	ssyncadd.s32 $0xFFFFD800  }
0x48: {  	_ =	swait.ge [sflag:s18], $0x2800  }
0x49: {  	[sflag:s18] =	ssyncset.done $0x0  }
0x4a: {  	[sflag:s18] =	ssyncadd.s32 $0xFFFFD800  }
0x4b: {  	[spmem:s3] =	stream.indirect.scatter.add.s16 [tilespmem:s16], [sflag:$0x3], $0x80, s20, s14, $0xb8;
	[tilespmem:$0x1B800] =	vst v63  }
0x4c: {  	_ =	swait.ge [sflag:s10], $0x2800  }
0x4d: {  	s21 =	sadd.s32 $0x1, s21;
	[sflag:s10] =	ssyncset.done $0x0  }
0x4e: {  	p0 =	sne.s32 s21, s8;
	[sflag:s10] =	ssyncadd.s32 $0xFFFFD800  }
.Ltmp1:
0x4f: {  	[bflag:$0x0] =	sbarrier.arrive $0xFFFF;
	(pc) =	sbr.rel @p0 .LBB2_1-.Ltmp1, $4  }
0x50: {  	[hbm:s9], [sflag:s12] =	dma.local [spmem:s13], $0x2800  }
0x51: {  	_ =	swait.ge [sflag:s10], $0x2800  }
0x52: {  	[sflag:s10] =	ssyncset.done $0x0  }
0x53: {  	[sflag:s10] =	ssyncadd.s32 $0xFFFFD800  }
0x54: {  	_ =	sfence.sel $0x180000  }
0x55: {  	[bflag:$0x0] =	sbarrier.arrive $0xFFFF  }
0x56: {  	p0 =	sne.s32 s0, $0x0;
	_ =	strace $0x9000004A  }
0x57: {  	s0 =	sadd.s32 @!p0 $0x100000, s2;
	[bflag:$0x2] =	sbarrier.arrive $0xFFFF  }
0x58: {  	[sflag:s0] =	ssyncadd.tile.s32 @!p0 $0x1;
	_ =	shalt  }
.Lfunc_end2:
_tile_overlayer_lowered:
.L_overlay_start_2:
0x59: {  	(tag) =	ssettag $0x2  }
0x5a: {  	s0 =	rddreg [dreg:$0x0];
	s2 =	stileid.u32  }
0x5b: {  	s1 =	rddreg [dreg:$0x1];
	p0 =	sne.s32 s2, $0x0  }
0x5c: {  	s3 =	rddreg [dreg:$0x2];
	[bflag:$0x3] =	sbarrier.arrive $0xFFFF;
	s2 =	simm.s32 @!p0 $0x1C03  }
0x5d: {  	[timem:s3], [sflag:s2] =	dma.local @!p0 [hbm:s0], s1  }
0x5e: {  	s0 =	simm.s32 @!p0 $0x3  }
0x5f: {  	_ =	swait.ge @!p0 [sflag:s0], s1  }
0x60: {  	s1 =	ssub.s32 @!p0 $0x0, s1;
	[sflag:s0] =	ssyncset.done @!p0 $0x0  }
0x61: {  	[sflag:s0] =	ssyncadd.s32 @!p0 s1  }
0x62: {  	[bflag:$0x3] =	sbarrier.arrive $0xFFFF  }
0x63: {  	_ =	shalt  }

// kernel: kernel.14.cloned.1.call-start
scs
__scs_entry_jumppad:
0x0: {  	(pc) =	sbr.rel $0x88, $3  }
0x1: {  	(tag) =	ssettag $0x0;
	lr =	simm.s32 $0x1  }
0x2: {  	[smem:$0x3F9B] =	sst lr;
	_ =	strace $0xD0000000  }
0x3: {  	_ = 	snop  }
0x4: {  	_ = 	snop  }
0x5: {  	_ = 	snop  }
0x6: {  	_ = 	snop  }
0x7: {  	_ = 	snop  }
__scs_overlays_trampoline_lowered:
0x8: {  	[smem:$0x3FAA] =	sst s0  }
0x9: {  	[smem:$0x3FAB] =	sst s1  }
0xa: {  	[smem:$0x3FAC] =	sst s2  }
0xb: {  	[smem:$0x3FAD] =	sst s3  }
0xc: {  	[smem:$0x3FAE] =	sst s4  }
0xd: {  	[smem:$0x3FAF] =	sst s5  }
0xe: {  	[smem:$0x3FB0] =	sst s6  }
0xf: {  	[smem:$0x3FB1] =	sst s7  }
0x10: {  	[smem:$0x3FB2] =	sst s8  }
0x11: {  	[smem:$0x3FB3] =	sst s9;
	s0 =	simm.s32 @!p0 $0x0  }
0x12: {  	s1 =	sld [smem:$0x3F99];
	s0 =	simm.s32 @p0 $0x1  }
0x13: {  	[smem:$0x3FB4] =	sst s0;
	s0 =	simm.s32 @!p1 $0x0  }
0x14: {  	s2 =	sld [smem:$0x3F98];
	s0 =	simm.s32 @p1 $0x1  }
0x15: {  	[smem:$0x3FB5] =	sst s0;
	s0 =	simm.s32 @!p2 $0x0  }
0x16: {  	s3 =	sld [smem:$0x3FDB];
	s0 =	simm.s32 @p2 $0x1  }
0x17: {  	s4 =	simm.s32 $0x1BF5;
	[smem:$0x3FB7] =	sst s0  }
0x18: {  	s0 =	sld [smem:$0x3F9A];
	_ =	swait.ge [sflag:s4], $0x0  }
0x19: {  	s7 =	sld [smem:$0x3F9B]  }
0x1a: {  	s8 =	sadd.s32 $0xFFFFE003, lr  }
0x1b: {  	s9 =	sadd.s32 $0xFFFFFEF7, lr;
	s5 =	simm.s32 $0xFFFFFFFF;
	p2 =	slt.u32 s8, $0xFFFFF086  }
0x1c: {  	p1 =	slt.u32 s9, $0xF7A;
	s5 =	simm.s32 @!p2 $0x0  }
0x1d: {  	s5 =	simm.s32 @p1 $0x1;
	p0 =	seq.s32 s7, s2  }
0x1e: {  	s7 =	smul.u32 @!p0 $0xF7A, s2;
	p2 =	seq.s32 @!p0 s5, $0x0  }
0x1f: {  	s9 =	smul.u32 $0xF7A, s1;
	s8 =	simm.s32 @!p0 $0x1BF5;
	p2 =	por !p2, p0  }
0x20: {  	[sflag:s8] =	ssyncset.s32 @!p0 $0xFFFFF086;
	s6 =	sadd.s32 @!p0 s3, s7;
	s7 =	simm.s32 @!p0 $0x108  }
0x21: {  	s3 =	sadd.s32 s3, s9;
	s6 =	sadd.s32 @!p0 $0x88, s6;
	s7 =	simm.s32 @p2 $0x1082  }
0x22: {  	[simem:s7], [sflag:s8] =	dma.local @!p0 [hbm:s6], $0xF7A  }
0x23: {  	s9 =	sor.u32 $0xD0000000, s2;
	s6 =	simm.s32 $0x108;
	_ =	swait.ge @!p0 [sflag:s8], $0x0  }
0x24: {  	s3 =	sadd.s32 $0x88, s3;
	s6 =	simm.s32 @!p1 $0x1082;
	[sflag:s4] =	ssyncset.s32 $0xFFFFF086  }
0x25: {  	[simem:s6], [sflag:s4] =	dma.local [hbm:s3], $0xF7A  }
0x26: {  	[smem:$0x3F9B] =	sst s1;
	(tag) =	ssettag s2;
	_ =	strace s9  }
0x27: {  	s1 =	sld [smem:$0x3FAB]  }
0x28: {  	s2 =	sld [smem:$0x3FAC]  }
0x29: {  	s4 =	sld [smem:$0x3FAE]  }
0x2a: {  	p0 =	seq.s32 s5, $0x0;
	s5 =	sld [smem:$0x3FAF]  }
0x2b: {  	s6 =	sld [smem:$0x3FB0]  }
0x2c: {  	s7 =	sld [smem:$0x3FB1]  }
0x2d: {  	s3 =	simm.s32 $0x108;
	s8 =	sld [smem:$0x3FB2]  }
0x2e: {  	s3 =	simm.s32 @!p0 $0x1082;
	s9 =	sld [smem:$0x3FB3]  }
0x2f: {  	lr =	sadd.s32 s0, s3;
	s0 =	sld [smem:$0x3FAA]  }
0x30: {  	s3 =	sld [smem:$0x3FAD]  }
0x31: {  	[smem:$0x3FB6] =	sst s10  }
0x32: {  	s10 =	sld [smem:$0x3FB4];
	_ =	sdelay $0x3  }
0x33: {  	p0 =	seq.s32 s10, $0x1;
	s10 =	sld [smem:$0x3FB6];
	_ =	sdelay $0x3  }
0x34: {  	[smem:$0x3FB6] =	sst s10  }
0x35: {  	s10 =	sld [smem:$0x3FB5];
	_ =	sdelay $0x3  }
0x36: {  	p1 =	seq.s32 s10, $0x1;
	s10 =	sld [smem:$0x3FB6];
	_ =	sdelay $0x3  }
0x37: {  	[smem:$0x3FB6] =	sst s10  }
0x38: {  	s10 =	sld [smem:$0x3FB7]  }
0x39: {  	_ = 	snop;
	(pc) =	sbr.ind lr, $3  }
0x3a: {  	_ = 	snop  }
0x3b: {  	_ = 	snop  }
0x3c: {  	p2 =	seq.s32 s10, $0x1;
	s10 =	sld [smem:$0x3FB6]  }
0x3d: {  	_ =	shalt  }
0x3e: {  	_ =	shalt  }
0x3f: {  	_ =	shalt  }
0x40: {  	_ =	shalt  }
0x41: {  	_ =	shalt  }
0x42: {  	_ =	shalt  }
0x43: {  	_ =	shalt  }
0x44: {  	_ =	shalt  }
0x45: {  	_ =	shalt  }
0x46: {  	_ =	shalt  }
0x47: {  	_ =	shalt  }
0x48: {  	_ =	shalt  }
0x49: {  	_ =	shalt  }
0x4a: {  	_ =	shalt  }
0x4b: {  	_ =	shalt  }
0x4c: {  	_ =	shalt  }
0x4d: {  	_ =	shalt  }
0x4e: {  	_ =	shalt  }
0x4f: {  	_ =	shalt  }
0x50: {  	_ =	shalt  }
0x51: {  	_ =	shalt  }
0x52: {  	_ =	shalt  }
0x53: {  	_ =	shalt  }
0x54: {  	_ =	shalt  }
0x55: {  	_ =	shalt  }
0x56: {  	_ =	shalt  }
0x57: {  	_ =	shalt  }
0x58: {  	_ =	shalt  }
0x59: {  	_ =	shalt  }
0x5a: {  	_ =	shalt  }
0x5b: {  	_ =	shalt  }
0x5c: {  	_ =	shalt  }
0x5d: {  	_ =	shalt  }
0x5e: {  	_ =	shalt  }
0x5f: {  	_ =	shalt  }
0x60: {  	_ =	shalt  }
0x61: {  	_ =	shalt  }
0x62: {  	_ =	shalt  }
0x63: {  	_ =	shalt  }
0x64: {  	_ =	shalt  }
0x65: {  	_ =	shalt  }
0x66: {  	_ =	shalt  }
0x67: {  	_ =	shalt  }
0x68: {  	_ =	shalt  }
0x69: {  	_ =	shalt  }
0x6a: {  	_ =	shalt  }
0x6b: {  	_ =	shalt  }
0x6c: {  	_ =	shalt  }
0x6d: {  	_ =	shalt  }
0x6e: {  	_ =	shalt  }
0x6f: {  	_ =	shalt  }
0x70: {  	_ =	shalt  }
0x71: {  	_ =	shalt  }
0x72: {  	_ =	shalt  }
0x73: {  	_ =	shalt  }
0x74: {  	_ =	shalt  }
0x75: {  	_ =	shalt  }
0x76: {  	_ =	shalt  }
0x77: {  	_ =	shalt  }
0x78: {  	_ =	shalt  }
0x79: {  	_ =	shalt  }
0x7a: {  	_ =	shalt  }
0x7b: {  	_ =	shalt  }
0x7c: {  	_ =	shalt  }
0x7d: {  	_ =	shalt  }
0x7e: {  	_ =	shalt  }
0x7f: {  	_ =	shalt  }
0x80: {  	_ =	shalt  }
0x81: {  	_ =	shalt  }
0x82: {  	_ =	shalt  }
0x83: {  	_ =	shalt  }
0x84: {  	_ =	shalt  }
0x85: {  	_ =	shalt  }
0x86: {  	_ =	shalt  }
0x87: {  	_ =	shalt  }
.Lfunc_end0:
.L_simem_size_0:
called_computation.2_lowered:
.L_overlay_start_0:
0x88: {  	s2 =	sld [smem:$0x3FD9]  }
0x89: {  	s3 =	sld [smem:$0x3FFE];
	_ =	sdelay $0x1  }
0x8a: {  	s1 =	srdreg.scid  }
0x8b: {  	s0 =	sand.u32 $0x1, s1  }
0x8c: {  	s17 =	sshll.u32 s0, $0xA;
	s2 =	sadd.s32 s3, s2  }
0x8d: {  	s2 =	sadd.s32 s2, s17  }
0x8e: {  	[smem:$0x3FC2] =	sst s2  }
0x8f: {  	_ = 	snop  }
0x90: {  	s2 =	sld [smem:$0x3FD0];
	(tm) =	ssettm $0x1  }
0x91: {  	s18 =	sld [smem:$0x3FFB];
	_ =	sdelay $0x3  }
0x92: {  	_ =	strace s18  }
0x93: {  	s3 =	sld [smem:$0x3FFC];
	_ =	sdelay $0x3  }
0x94: {  	_ =	strace s3  }
0x95: {  	s3 =	sld [smem:$0x3FFD];
	_ =	sdelay $0x3  }
0x96: {  	_ =	strace s3  }
0x97: {  	_ =	strace $0x8FFFFFFF  }
0x98: {  	s19 =	sld [smem:$0x3FDB];
	_ =	sdelay $0x1  }
0x99: {  	s4 =	simm.s32 $_scs_section_size  }
0x9a: {  	s5 =	simm.s32 $_size__tile_overlayer_lowered;
	s6 =	simm.s32 $_tile_overlayer_lowered  }
0x9b: {  	s22 =	simm.s32 $0x1BFF;
	s21 =	sshll.u32 s6, $0x1;
	s3 =	sadd.s32 s4, s19  }
0x9c: {  	s7 =	simm.s32 $0x0;
	s20 =	sshll.u32 s5, $0x1;
	s5 =	sadd.s32 s21, s3  }
0x9d: {  	[timem:s7], [sflag:s22] =	dma.local [hbm:s5], s20  }
0x9e: {  	_ =	swait.ge [sflag:s22], s20  }
0x9f: {  	s4 =	ssub.s32 $0x0, s20;
	[sflag:s22] =	ssyncset.done $0x0  }
0xa0: {  	[sflag:s22] =	ssyncadd.s32 s4;
	_ =	sdelay $0x1  }
0xa1: {  	s23 =	simm.s32 $0x1B8B  }
0xa2: {  	_ =	swait.ge [sflag:s23], $0x1  }
0xa3: {  	[sflag:s23] =	ssyncset.done $0x0  }
0xa4: {  	s25 =	simm.s32 $0x1B8E;
	s24 =	sld [smem:$0x3FFE];
	[sflag:s23] =	ssyncadd.s32 $0xFFFFFFFF  }
0xa5: {  	s26 =	simm.s32 $execute0_lowered;
	[smem:$0x3FD2] =	sst s25  }
0xa6: {  	s5 =	sshll.u32 s26, $0x1;
	_ =	strace $0x8000004C;
	[dreg:$0x1] =	wrdreg $0xFFFFFFFF  }
0xa7: {  	s28 =	simm.s32 $_size_execute0_lowered;
	s3 =	sadd.s32 s3, s5;
	[dreg:$0x0] =	wrdreg $0x0  }
0xa8: {  	s5 =	sshll.u32 s28, $0x1;
	[dreg:$0x2] =	wrdreg s3  }
0xa9: {  	[dreg:$0x3] =	wrdreg s5  }
0xaa: {  	[dreg:$0x4] =	wrdreg $0xC0  }
0xab: {  	_ =	task [dreg:s7], $0x5FFFF  }
0xac: {  	[dreg:$0x1] =	wrdreg $0xFFFFFFFF  }
0xad: {  	[dreg:$0x0] =	wrdreg $0x60  }
0xae: {  	[dreg:$0x2] =	wrdreg s2  }
0xaf: {  	[dreg:$0x3] =	wrdreg s24  }
0xb0: {  	[dreg:$0x4] =	wrdreg $0x78000  }
0xb1: {  	[dreg:$0x5] =	wrdreg $0x9  }
0xb2: {  	_ =	task.clear_ibuf [dreg:s7], $0x6FFFF;
	_ =	strace $0x9000004C  }
0xb3: {  	s29 =	simm.s32 $0x9;
	_ =	strace $0x8000004E  }
0xb4: {  	_ =	swait.ge [sflag:s29], $0x1  }
0xb5: {  	[sflag:s29] =	ssyncadd.s32 $0xFFFFFFFF  }
0xb6: {  	_ =	strace $0x9000004E  }
0xb7: {  	_ =	sfence  }
0xb8: {  	s30 =	sld [smem:$0x0];
	_ =	sdelay $0x2  }
0xb9: {  	s31 =	sshll.u32 s1, $0xD;
	s1 =	sshrl.u32 s1, $0x2  }
0xba: {  	s3 =	sand.u32 $0x4000, s31;
	s1 =	sadd.s32 s1, s30  }
0xbb: {  	s0 =	sor.u32 s3, s0;
	s1 =	sshll.u32 s1, $0x11  }
0xbc: {  	s0 =	sor.u32 s1, s0  }
0xbd: {  	s0 =	sadd.s32 $0x8F2B, s0  }
0xbe: {  	[sflag:s0] =	ssyncadd.remote.s32 $0x1  }
0xbf: {  	_ =	sfence.sel $0xFFFF  }
0xc0: {  	[dreg:$0x0] =	wrdreg $0xFFFFFFFF;
	(pc) =	sbr.abs _section_cstart, $3  }
0xc1: {  	[dreg:$0x1] =	wrdreg $0xFFFFFFFF  }
0xc2: {  	_ =	task.clear_ibuf [dreg:s7], $0x2FFFF;
	_ =	strace $0x9FFFFFFF  }
0xc3: {  	(tm) =	ssettm $0x7FFFFFFF  }
tec
execute0_lowered:
.L_overlay_start_1:
0x0: {  	(tag) =	ssettag $0x1  }
0x1: {  	s1 =	rddreg [dreg:$0x0];
	s2 =	srdreg.scid  }
0x2: {  	s8 =	rddreg [dreg:$0x1];
	s0 =	stileid.u32  }
0x3: {  	s3 =	rddreg [dreg:$0x2];
	s4 =	simm.s32 $0x0;
	s13 =	simm.s32 $0x18A00  }
0x4: {  	s15 =	simm.s32 $0x2800;
	s16 =	simm.s32 $0x5000;
	s17 =	simm.s32 $0x1  }
0x5: {  	s18 =	simm.s32 $0x2;
	s19 =	simm.s32 $0x2760;
	s20 =	simm.s32 $0x27B0  }
0x6: {  	s21 =	simm.s32 $0x0;
	s6 =	sand.u32 $0x1, s2;
	s2 =	rddreg [dreg:$0x3]  }
0x7: {  	s12 =	sshll.u32 s0, $0x6;
	[smem:$0x7FF] =	sst s4;
	s11 =	smul.u32 $0x28000, s0  }
0x8: {  	s5 =	sshll.u32 s6, $0xA;
	s7 =	ssub.s32 $0x2, s6;
	_ =	strace $0x8000004D  }
0x9: {  	p0 =	seq.s32 s6, $0x1;
	s5 =	sor.u32 s12, s5;
	s9 =	sshrl.u32 s7, $0x1  }
0xa: {  	s13 =	simm.s32 @!p0 $0x40A00;
	s31 =	sshrl.u32 s11, $0x1;
	s5 =	smul.u32 $0xA, s5  }
0xb: {  	s11 =	sshrl.u32 s11, $0x4;
	s12 =	sor.u32 $0x1C03, s12;
	s9 =	ssub.s32 s7, s9  }
0xc: {  	s13 =	sadd.s32 s13, s8;
	s14 =	sadd.s32 s31, s3;
	s10 =	sadd.s32 s5, s8  }
0xd: {  	s5 =	sadd.s32 $0x16200, s8;
	s8 =	smax.u32 s9, $0x1;
	s9 =	sadd.s32 s13, s11  }
0xe: {  	s11 =	simm.s32 $0x1400;
	s13 =	sshrl.u32 s14, $0x3;
	s14 =	simm.s32 $0x50  }
0xf: {  	s6 =	sadd.s32 $0x8000, s10;
	s7 =	sadd.s32 $0x3000, s10;
	s10 =	simm.s32 $0x3  }
.LBB2_1:
0x10: {  	[tilespmem:s4], [sflag:$0x3] =	stream.linear.gather [hbm4b:s6+s4], $0x1400, $0x38;
	[tilespmem:$0x1B800] =	vst v63  }
0x11: {  	_ =	swait.ge [sflag:s10], $0x1400  }
0x12: {  	[sflag:s10] =	ssyncset.done $0x0  }
0x13: {  	[sflag:s10] =	ssyncadd.s32 $0xFFFFEC00  }
0x14: {  	[tilespmem:s11], [sflag:$0x3] =	stream.linear.gather [hbm4b:s7+s4], $0x1400, $0x38;
	[tilespmem:$0x1B800] =	vst v63  }
0x15: {  	_ =	swait.ge [sflag:s10], $0x1400  }
0x16: {  	[sflag:s10] =	ssyncset.done $0x0  }
0x17: {  	[sflag:s10] =	ssyncadd.s32 $0xFFFFEC00  }
0x18: {  	[spmem:s13], [sflag:s12] =	dma.local [hbm:s5], $0x2800  }
0x19: {  	_ =	swait.ge [sflag:s10], $0x2800  }
0x1a: {  	[sflag:s10] =	ssyncset.done $0x0  }
0x1b: {  	[sflag:s10] =	ssyncadd.s32 $0xFFFFD800  }
0x1c: {  	[bflag:$0x0] =	sbarrier.arrive $0xFFFF  }
0x1d: {  	[tilespmem:s15], [sflag:$0x1] =	stream.indirect.gather [hbm4b:s1+s14], $0x80, s4, s14, $0xb8;
	[tilespmem:$0x1B800] =	vst v63  }
0x1e: {  	_ = 	snop  }
0x1f: {  	[tilespmem:s16], [sflag:$0x2] =	stream.indirect.gather [hbm4b:s1+s14], $0x80, s14, s14, $0xb8;
	[tilespmem:$0x1B800] =	vst v63  }
0x20: {  	_ =	swait.ge [sflag:s17], $0x2800  }
0x21: {  	[sflag:s17] =	ssyncset.done $0x0  }
0x22: {  	s22 =	simm.s32 $0x1400;
	[sflag:s17] =	ssyncadd.s32 $0xFFFFD800  }
0x23: {  	[spmem:s3] =	stream.indirect.scatter.add.s16 [tilespmem:s15], [sflag:$0x3], $0x80, s22, s14, $0xb8;
	[tilespmem:$0x1B800] =	vst v63  }
0x24: {  	_ =	swait.ge [sflag:s10], $0x2800  }
0x25: {  	[sflag:s10] =	ssyncset.done $0x0  }
0x26: {  	s30 =	simm.s32 $0xA0;
	[sflag:s10] =	ssyncadd.s32 $0xFFFFD800  }
0x27: {  	[tilespmem:s15], [sflag:$0x1] =	stream.indirect.gather [hbm4b:s1+s14], $0x80, s30, s14, $0xb8;
	[tilespmem:$0x1B800] =	vst v63  }
0x28: {  	_ =	swait.ge [sflag:s18], $0x2800  }
0x29: {  	[sflag:s18] =	ssyncset.done $0x0  }
0x2a: {  	s31 =	simm.s32 $0x1450;
	[sflag:s18] =	ssyncadd.s32 $0xFFFFD800  }
0x2b: {  	[spmem:s3] =	stream.indirect.scatter.add.s16 [tilespmem:s16], [sflag:$0x3], $0x80, s31, s14, $0xb8;
	[tilespmem:$0x1B800] =	vst v63  }
0x2c: {  	_ =	swait.ge [sflag:s10], $0x2800  }
0x2d: {  	[sflag:s10] =	ssyncset.done $0x0  }
0x2e: {  	s23 =	simm.s32 $0xF0;
	s22 =	simm.s32 $0x280;
	[sflag:s10] =	ssyncadd.s32 $0xFFFFD800  }
.LBB2_2:
0x2f: {  	[tilespmem:s16], [sflag:$0x2] =	stream.indirect.gather [hbm4b:s1+s14], $0x80, s23, s14, $0xb8;
	[tilespmem:$0x1B800] =	vst v63  }
0x30: {  	s23 =	smov.u32 s22  }
0x31: {  	p0 =	sne.s32 s22, $0x4B00;
	s22 =	sadd.s32 $0x280, s22;
	_ =	swait.ge [sflag:s17], $0x2800  }
0x32: {  	s23 =	sshra.s32 s23, $0x2;
	[sflag:s17] =	ssyncset.done $0x0  }
0x33: {  	s24 =	sadd.s32 $0x1400, s23;
	[sflag:s17] =	ssyncadd.s32 $0xFFFFD800  }
0x34: {  	[spmem:s3] =	stream.indirect.scatter.add.s16 [tilespmem:s15], [sflag:$0x3], $0x80, s24, s14, $0xb8;
	[tilespmem:$0x1B800] =	vst v63  }
0x35: {  	_ =	swait.ge [sflag:s10], $0x2800  }
0x36: {  	[sflag:s10] =	ssyncset.done $0x0  }
0x37: {  	s24 =	sadd.s32 $0xA0, s23;
	[sflag:s10] =	ssyncadd.s32 $0xFFFFD800  }
0x38: {  	[tilespmem:s15], [sflag:$0x1] =	stream.indirect.gather [hbm4b:s1+s14], $0x80, s24, s14, $0xb8;
	[tilespmem:$0x1B800] =	vst v63  }
0x39: {  	_ =	swait.ge [sflag:s18], $0x2800  }
0x3a: {  	[sflag:s18] =	ssyncset.done $0x0  }
.Ltmp0:
0x3b: {  	s24 =	sadd.s32 $0x1450, s23;
	[sflag:s18] =	ssyncadd.s32 $0xFFFFD800;
	(pc) =	sbr.rel @p0 .LBB2_2-.Ltmp0, $4  }
0x3c: {  	[spmem:s3] =	stream.indirect.scatter.add.s16 [tilespmem:s16], [sflag:$0x3], $0x80, s24, s14, $0xb8;
	[tilespmem:$0x1B800] =	vst v63  }
0x3d: {  	_ =	swait.ge [sflag:s10], $0x2800  }
0x3e: {  	[sflag:s10] =	ssyncset.done $0x0  }
0x3f: {  	s23 =	sadd.s32 $0xF0, s23;
	[sflag:s10] =	ssyncadd.s32 $0xFFFFD800  }
0x40: {  	[tilespmem:s16], [sflag:$0x2] =	stream.indirect.gather [hbm4b:s1+s14], $0x80, s23, s14, $0xb8;
	[tilespmem:$0x1B800] =	vst v63  }
0x41: {  	_ =	swait.ge [sflag:s17], $0x2800  }
0x42: {  	[sflag:s17] =	ssyncset.done $0x0  }
0x43: {  	[sflag:s17] =	ssyncadd.s32 $0xFFFFD800  }
0x44: {  	[spmem:s3] =	stream.indirect.scatter.add.s16 [tilespmem:s15], [sflag:$0x3], $0x80, s19, s14, $0xb8;
	[tilespmem:$0x1B800] =	vst v63  }
0x45: {  	_ =	swait.ge [sflag:s10], $0x2800  }
0x46: {  	[sflag:s10] =	ssyncset.done $0x0  }
0x47: {  	[sflag:s10] =	ssyncadd.s32 $0xFFFFD800  }
0x48: {  	_ =	swait.ge [sflag:s18], $0x2800  }
0x49: {  	[sflag:s18] =	ssyncset.done $0x0  }
0x4a: {  	[sflag:s18] =	ssyncadd.s32 $0xFFFFD800  }
0x4b: {  	[spmem:s3] =	stream.indirect.scatter.add.s16 [tilespmem:s16], [sflag:$0x3], $0x80, s20, s14, $0xb8;
	[tilespmem:$0x1B800] =	vst v63  }
0x4c: {  	_ =	swait.ge [sflag:s10], $0x2800  }
0x4d: {  	s21 =	sadd.s32 $0x1, s21;
	[sflag:s10] =	ssyncset.done $0x0  }
0x4e: {  	p0 =	sne.s32 s21, s8;
	[sflag:s10] =	ssyncadd.s32 $0xFFFFD800  }
.Ltmp1:
0x4f: {  	[bflag:$0x0] =	sbarrier.arrive $0xFFFF;
	(pc) =	sbr.rel @p0 .LBB2_1-.Ltmp1, $4  }
0x50: {  	[hbm:s9], [sflag:s12] =	dma.local [spmem:s13], $0x2800  }
0x51: {  	_ =	swait.ge [sflag:s10], $0x2800  }
0x52: {  	[sflag:s10] =	ssyncset.done $0x0  }
0x53: {  	[sflag:s10] =	ssyncadd.s32 $0xFFFFD800  }
0x54: {  	_ =	sfence.sel $0x180000  }
0x55: {  	[bflag:$0x0] =	sbarrier.arrive $0xFFFF  }
0x56: {  	p0 =	sne.s32 s0, $0x0;
	_ =	strace $0x9000004D  }
0x57: {  	s0 =	sadd.s32 @!p0 $0x100000, s2;
	[bflag:$0x2] =	sbarrier.arrive $0xFFFF  }
0x58: {  	[sflag:s0] =	ssyncadd.tile.s32 @!p0 $0x1;
	_ =	shalt  }
.Lfunc_end2:
_tile_overlayer_lowered:
.L_overlay_start_2:
0x59: {  	(tag) =	ssettag $0x2  }
0x5a: {  	s0 =	rddreg [dreg:$0x0];
	s2 =	stileid.u32  }
0x5b: {  	s1 =	rddreg [dreg:$0x1];
	p0 =	sne.s32 s2, $0x0  }
0x5c: {  	s3 =	rddreg [dreg:$0x2];
	[bflag:$0x3] =	sbarrier.arrive $0xFFFF;
	s2 =	simm.s32 @!p0 $0x1C03  }
0x5d: {  	[timem:s3], [sflag:s2] =	dma.local @!p0 [hbm:s0], s1  }
0x5e: {  	s0 =	simm.s32 @!p0 $0x3  }
0x5f: {  	_ =	swait.ge @!p0 [sflag:s0], s1  }
0x60: {  	s1 =	ssub.s32 @!p0 $0x0, s1;
	[sflag:s0] =	ssyncset.done @!p0 $0x0  }
0x61: {  	[sflag:s0] =	ssyncadd.s32 @!p0 s1  }
0x62: {  	[bflag:$0x3] =	sbarrier.arrive $0xFFFF  }
0x63: {  	_ =	shalt  }

// kernel: kernel.8.cloned.1.call-start
scs
__scs_entry_jumppad:
0x0: {  	(pc) =	sbr.rel $0x88, $3  }
0x1: {  	(tag) =	ssettag $0x0;
	lr =	simm.s32 $0x1  }
0x2: {  	[smem:$0x3F9B] =	sst lr;
	_ =	strace $0xD0000000  }
0x3: {  	_ = 	snop  }
0x4: {  	_ = 	snop  }
0x5: {  	_ = 	snop  }
0x6: {  	_ = 	snop  }
0x7: {  	_ = 	snop  }
__scs_overlays_trampoline_lowered:
0x8: {  	[smem:$0x3FAA] =	sst s0  }
0x9: {  	[smem:$0x3FAB] =	sst s1  }
0xa: {  	[smem:$0x3FAC] =	sst s2  }
0xb: {  	[smem:$0x3FAD] =	sst s3  }
0xc: {  	[smem:$0x3FAE] =	sst s4  }
0xd: {  	[smem:$0x3FAF] =	sst s5  }
0xe: {  	[smem:$0x3FB0] =	sst s6  }
0xf: {  	[smem:$0x3FB1] =	sst s7  }
0x10: {  	[smem:$0x3FB2] =	sst s8  }
0x11: {  	[smem:$0x3FB3] =	sst s9;
	s0 =	simm.s32 @!p0 $0x0  }
0x12: {  	s1 =	sld [smem:$0x3F99];
	s0 =	simm.s32 @p0 $0x1  }
0x13: {  	[smem:$0x3FB4] =	sst s0;
	s0 =	simm.s32 @!p1 $0x0  }
0x14: {  	s2 =	sld [smem:$0x3F98];
	s0 =	simm.s32 @p1 $0x1  }
0x15: {  	[smem:$0x3FB5] =	sst s0;
	s0 =	simm.s32 @!p2 $0x0  }
0x16: {  	s3 =	sld [smem:$0x3FDB];
	s0 =	simm.s32 @p2 $0x1  }
0x17: {  	s4 =	simm.s32 $0x1BF5;
	[smem:$0x3FB7] =	sst s0  }
0x18: {  	s0 =	sld [smem:$0x3F9A];
	_ =	swait.ge [sflag:s4], $0x0  }
0x19: {  	s7 =	sld [smem:$0x3F9B]  }
0x1a: {  	s8 =	sadd.s32 $0xFFFFE003, lr  }
0x1b: {  	s9 =	sadd.s32 $0xFFFFFEF7, lr;
	s5 =	simm.s32 $0xFFFFFFFF;
	p2 =	slt.u32 s8, $0xFFFFF086  }
0x1c: {  	p1 =	slt.u32 s9, $0xF7A;
	s5 =	simm.s32 @!p2 $0x0  }
0x1d: {  	s5 =	simm.s32 @p1 $0x1;
	p0 =	seq.s32 s7, s2  }
0x1e: {  	s7 =	smul.u32 @!p0 $0xF7A, s2;
	p2 =	seq.s32 @!p0 s5, $0x0  }
0x1f: {  	s9 =	smul.u32 $0xF7A, s1;
	s8 =	simm.s32 @!p0 $0x1BF5;
	p2 =	por !p2, p0  }
0x20: {  	[sflag:s8] =	ssyncset.s32 @!p0 $0xFFFFF086;
	s6 =	sadd.s32 @!p0 s3, s7;
	s7 =	simm.s32 @!p0 $0x108  }
0x21: {  	s3 =	sadd.s32 s3, s9;
	s6 =	sadd.s32 @!p0 $0x88, s6;
	s7 =	simm.s32 @p2 $0x1082  }
0x22: {  	[simem:s7], [sflag:s8] =	dma.local @!p0 [hbm:s6], $0xF7A  }
0x23: {  	s9 =	sor.u32 $0xD0000000, s2;
	s6 =	simm.s32 $0x108;
	_ =	swait.ge @!p0 [sflag:s8], $0x0  }
0x24: {  	s3 =	sadd.s32 $0x88, s3;
	s6 =	simm.s32 @!p1 $0x1082;
	[sflag:s4] =	ssyncset.s32 $0xFFFFF086  }
0x25: {  	[simem:s6], [sflag:s4] =	dma.local [hbm:s3], $0xF7A  }
0x26: {  	[smem:$0x3F9B] =	sst s1;
	(tag) =	ssettag s2;
	_ =	strace s9  }
0x27: {  	s1 =	sld [smem:$0x3FAB]  }
0x28: {  	s2 =	sld [smem:$0x3FAC]  }
0x29: {  	s4 =	sld [smem:$0x3FAE]  }
0x2a: {  	p0 =	seq.s32 s5, $0x0;
	s5 =	sld [smem:$0x3FAF]  }
0x2b: {  	s6 =	sld [smem:$0x3FB0]  }
0x2c: {  	s7 =	sld [smem:$0x3FB1]  }
0x2d: {  	s3 =	simm.s32 $0x108;
	s8 =	sld [smem:$0x3FB2]  }
0x2e: {  	s3 =	simm.s32 @!p0 $0x1082;
	s9 =	sld [smem:$0x3FB3]  }
0x2f: {  	lr =	sadd.s32 s0, s3;
	s0 =	sld [smem:$0x3FAA]  }
0x30: {  	s3 =	sld [smem:$0x3FAD]  }
0x31: {  	[smem:$0x3FB6] =	sst s10  }
0x32: {  	s10 =	sld [smem:$0x3FB4];
	_ =	sdelay $0x3  }
0x33: {  	p0 =	seq.s32 s10, $0x1;
	s10 =	sld [smem:$0x3FB6];
	_ =	sdelay $0x3  }
0x34: {  	[smem:$0x3FB6] =	sst s10  }
0x35: {  	s10 =	sld [smem:$0x3FB5];
	_ =	sdelay $0x3  }
0x36: {  	p1 =	seq.s32 s10, $0x1;
	s10 =	sld [smem:$0x3FB6];
	_ =	sdelay $0x3  }
0x37: {  	[smem:$0x3FB6] =	sst s10  }
0x38: {  	s10 =	sld [smem:$0x3FB7]  }
0x39: {  	_ = 	snop;
	(pc) =	sbr.ind lr, $3  }
0x3a: {  	_ = 	snop  }
0x3b: {  	_ = 	snop  }
0x3c: {  	p2 =	seq.s32 s10, $0x1;
	s10 =	sld [smem:$0x3FB6]  }
0x3d: {  	_ =	shalt  }
0x3e: {  	_ =	shalt  }
0x3f: {  	_ =	shalt  }
0x40: {  	_ =	shalt  }
0x41: {  	_ =	shalt  }
0x42: {  	_ =	shalt  }
0x43: {  	_ =	shalt  }
0x44: {  	_ =	shalt  }
0x45: {  	_ =	shalt  }
0x46: {  	_ =	shalt  }
0x47: {  	_ =	shalt  }
0x48: {  	_ =	shalt  }
0x49: {  	_ =	shalt  }
0x4a: {  	_ =	shalt  }
0x4b: {  	_ =	shalt  }
0x4c: {  	_ =	shalt  }
0x4d: {  	_ =	shalt  }
0x4e: {  	_ =	shalt  }
0x4f: {  	_ =	shalt  }
0x50: {  	_ =	shalt  }
0x51: {  	_ =	shalt  }
0x52: {  	_ =	shalt  }
0x53: {  	_ =	shalt  }
0x54: {  	_ =	shalt  }
0x55: {  	_ =	shalt  }
0x56: {  	_ =	shalt  }
0x57: {  	_ =	shalt  }
0x58: {  	_ =	shalt  }
0x59: {  	_ =	shalt  }
0x5a: {  	_ =	shalt  }
0x5b: {  	_ =	shalt  }
0x5c: {  	_ =	shalt  }
0x5d: {  	_ =	shalt  }
0x5e: {  	_ =	shalt  }
0x5f: {  	_ =	shalt  }
0x60: {  	_ =	shalt  }
0x61: {  	_ =	shalt  }
0x62: {  	_ =	shalt  }
0x63: {  	_ =	shalt  }
0x64: {  	_ =	shalt  }
0x65: {  	_ =	shalt  }
0x66: {  	_ =	shalt  }
0x67: {  	_ =	shalt  }
0x68: {  	_ =	shalt  }
0x69: {  	_ =	shalt  }
0x6a: {  	_ =	shalt  }
0x6b: {  	_ =	shalt  }
0x6c: {  	_ =	shalt  }
0x6d: {  	_ =	shalt  }
0x6e: {  	_ =	shalt  }
0x6f: {  	_ =	shalt  }
0x70: {  	_ =	shalt  }
0x71: {  	_ =	shalt  }
0x72: {  	_ =	shalt  }
0x73: {  	_ =	shalt  }
0x74: {  	_ =	shalt  }
0x75: {  	_ =	shalt  }
0x76: {  	_ =	shalt  }
0x77: {  	_ =	shalt  }
0x78: {  	_ =	shalt  }
0x79: {  	_ =	shalt  }
0x7a: {  	_ =	shalt  }
0x7b: {  	_ =	shalt  }
0x7c: {  	_ =	shalt  }
0x7d: {  	_ =	shalt  }
0x7e: {  	_ =	shalt  }
0x7f: {  	_ =	shalt  }
0x80: {  	_ =	shalt  }
0x81: {  	_ =	shalt  }
0x82: {  	_ =	shalt  }
0x83: {  	_ =	shalt  }
0x84: {  	_ =	shalt  }
0x85: {  	_ =	shalt  }
0x86: {  	_ =	shalt  }
0x87: {  	_ =	shalt  }
.Lfunc_end0:
.L_simem_size_0:
called_computation_lowered:
.L_overlay_start_0:
0x88: {  	s2 =	sld [smem:$0x3FD9]  }
0x89: {  	s3 =	sld [smem:$0x3FFE];
	_ =	sdelay $0x1  }
0x8a: {  	s1 =	srdreg.scid  }
0x8b: {  	s0 =	sand.u32 $0x1, s1  }
0x8c: {  	s17 =	sshll.u32 s0, $0xA;
	s2 =	sadd.s32 s3, s2  }
0x8d: {  	s2 =	sadd.s32 s2, s17  }
0x8e: {  	[smem:$0x3FC2] =	sst s2  }
0x8f: {  	_ = 	snop  }
0x90: {  	s2 =	sld [smem:$0x3FD0];
	(tm) =	ssettm $0x1  }
0x91: {  	s18 =	sld [smem:$0x3FFB];
	_ =	sdelay $0x3  }
0x92: {  	_ =	strace s18  }
0x93: {  	s3 =	sld [smem:$0x3FFC];
	_ =	sdelay $0x3  }
0x94: {  	_ =	strace s3  }
0x95: {  	s3 =	sld [smem:$0x3FFD];
	_ =	sdelay $0x3  }
0x96: {  	_ =	strace s3  }
0x97: {  	_ =	strace $0x8FFFFFFF  }
0x98: {  	s19 =	sld [smem:$0x3FDB];
	_ =	sdelay $0x1  }
0x99: {  	s4 =	simm.s32 $_scs_section_size  }
0x9a: {  	s5 =	simm.s32 $_size__tile_overlayer_lowered;
	s6 =	simm.s32 $_tile_overlayer_lowered  }
0x9b: {  	s22 =	simm.s32 $0x1BFF;
	s21 =	sshll.u32 s6, $0x1;
	s3 =	sadd.s32 s4, s19  }
0x9c: {  	s7 =	simm.s32 $0x0;
	s20 =	sshll.u32 s5, $0x1;
	s5 =	sadd.s32 s21, s3  }
0x9d: {  	[timem:s7], [sflag:s22] =	dma.local [hbm:s5], s20  }
0x9e: {  	_ =	swait.ge [sflag:s22], s20  }
0x9f: {  	s4 =	ssub.s32 $0x0, s20;
	[sflag:s22] =	ssyncset.done $0x0  }
0xa0: {  	[sflag:s22] =	ssyncadd.s32 s4;
	_ =	sdelay $0x1  }
0xa1: {  	s23 =	simm.s32 $0x1B8B  }
0xa2: {  	_ =	swait.ge [sflag:s23], $0x1  }
0xa3: {  	[sflag:s23] =	ssyncset.done $0x0  }
0xa4: {  	s25 =	simm.s32 $0x1B8E;
	s24 =	sld [smem:$0x3FFE];
	[sflag:s23] =	ssyncadd.s32 $0xFFFFFFFF  }
0xa5: {  	s26 =	simm.s32 $execute0_lowered;
	[smem:$0x3FD2] =	sst s25  }
0xa6: {  	s5 =	sshll.u32 s26, $0x1;
	_ =	strace $0x80000046;
	[dreg:$0x1] =	wrdreg $0xFFFFFFFF  }
0xa7: {  	s28 =	simm.s32 $_size_execute0_lowered;
	s3 =	sadd.s32 s3, s5;
	[dreg:$0x0] =	wrdreg $0x0  }
0xa8: {  	s5 =	sshll.u32 s28, $0x1;
	[dreg:$0x2] =	wrdreg s3  }
0xa9: {  	[dreg:$0x3] =	wrdreg s5  }
0xaa: {  	[dreg:$0x4] =	wrdreg $0xC0  }
0xab: {  	_ =	task [dreg:s7], $0x5FFFF  }
0xac: {  	[dreg:$0x1] =	wrdreg $0xFFFFFFFF  }
0xad: {  	[dreg:$0x0] =	wrdreg $0x60  }
0xae: {  	[dreg:$0x2] =	wrdreg s2  }
0xaf: {  	[dreg:$0x3] =	wrdreg s24  }
0xb0: {  	[dreg:$0x4] =	wrdreg $0x40800  }
0xb1: {  	[dreg:$0x5] =	wrdreg $0x9  }
0xb2: {  	_ =	task.clear_ibuf [dreg:s7], $0x6FFFF;
	_ =	strace $0x90000046  }
0xb3: {  	s29 =	simm.s32 $0x9;
	_ =	strace $0x80000048  }
0xb4: {  	_ =	swait.ge [sflag:s29], $0x1  }
0xb5: {  	[sflag:s29] =	ssyncadd.s32 $0xFFFFFFFF  }
0xb6: {  	_ =	strace $0x90000048  }
0xb7: {  	_ =	sfence  }
0xb8: {  	s30 =	sld [smem:$0x0];
	_ =	sdelay $0x2  }
0xb9: {  	s31 =	sshll.u32 s1, $0xD;
	s1 =	sshrl.u32 s1, $0x2  }
0xba: {  	s3 =	sand.u32 $0x4000, s31;
	s1 =	sadd.s32 s1, s30  }
0xbb: {  	s0 =	sor.u32 s3, s0;
	s1 =	sshll.u32 s1, $0x11  }
0xbc: {  	s0 =	sor.u32 s1, s0  }
0xbd: {  	s0 =	sadd.s32 $0x8F2B, s0  }
0xbe: {  	[sflag:s0] =	ssyncadd.remote.s32 $0x1  }
0xbf: {  	_ =	sfence.sel $0xFFFF  }
0xc0: {  	[dreg:$0x0] =	wrdreg $0xFFFFFFFF;
	(pc) =	sbr.abs _section_cstart, $3  }
0xc1: {  	[dreg:$0x1] =	wrdreg $0xFFFFFFFF  }
0xc2: {  	_ =	task.clear_ibuf [dreg:s7], $0x2FFFF;
	_ =	strace $0x9FFFFFFF  }
0xc3: {  	(tm) =	ssettm $0x7FFFFFFF  }
tec
execute0_lowered:
.L_overlay_start_1:
0x0: {  	(tag) =	ssettag $0x1  }
0x1: {  	s9 =	rddreg [dreg:$0x0]  }
0x2: {  	s6 =	rddreg [dreg:$0x1]  }
0x3: {  	s2 =	rddreg [dreg:$0x2]  }
0x4: {  	s0 =	rddreg [dreg:$0x3]  }
0x5: {  	s3 =	simm.s32 $0x0;
	s1 =	stileid.u32;
	s4 =	srdreg.scid  }
0x6: {  	[smem:$0x7FF] =	sst s3;
	s7 =	smul.u32 $0x280, s1  }
0x7: {  	s10 =	sand.u32 $0x1, s4;
	s11 =	sshll.u32 s1, $0xB;
	s5 =	sadd.s32 $0x15600, s6  }
0x8: {  	s31 =	sshll.u32 s1, $0x6;
	_ =	strace $0x80000047;
	s8 =	ssub.s32 $0x2, s10  }
0x9: {  	s12 =	sadd.s32 s11, s6;
	p0 =	seq.s32 s10, $0x1;
	s9 =	sadd.s32 s9, s11  }
.Ltmp0:
0xa: {  	s4 =	sshrl.u32 s7, $0x3;
	s14 =	sshrl.u32 s8, $0x1;
	(pc) =	sbr.rel .LBB2_1-.Ltmp0, $4  }
0xb: {  	s15 =	sadd.s32 s7, s2;
	s10 =	sadd.s32 $0xD000, s12;
	s13 =	sadd.s32 s4, s6  }
0xc: {  	s6 =	sadd.s32 $0x15C00, s6;
	s14 =	ssub.s32 s8, s14;
	s8 =	sor.u32 $0x1C01, s31  }
0xd: {  	s12 =	sshrl.u32 s15, $0x3;
	s15 =	simm.s32 $0x4000;
	s7 =	sadd.s32 $0x15000, s13  }
0xe: {  	v0 =	vimm.f32 $1.000000000e+00;
	s11 =	smax.u32 s14, $0x1;
	s13 =	simm.s32 $0x1;
	s14 =	simm.s32 $0x50  }
.LBB2_7:
0xf: {  	[sflag:s13] =	ssyncadd.s32 $0xFFFFFFB0;
	s16 =	smov.u32 s6  }
.LBB2_8:
0x10: {  	s3 =	sadd.s32 $0x1, s3  }
0x11: {  	p1 =	sne.s32 s3, s11  }
.Ltmp1:
0x12: {  	s16 =	sadd.s32 s16, s4;
	[bflag:$0x0] =	sbarrier.arrive $0xFFFF;
	(pc) =	sbr.rel @!p1 .LBB2_9-.Ltmp1, $4  }
0x13: {  	[hbm:s16], [sflag:s8] =	dma.local [spmem:s12], $0x50  }
0x14: {  	_ =	swait.ge [sflag:s13], $0x50  }
0x15: {  	[sflag:s13] =	ssyncset.done $0x0  }
0x16: {  	[sflag:s13] =	ssyncadd.s32 $0xFFFFFFB0  }
.LBB2_1:
0x17: {  	[tilespmem:$0x4000] =	vst v0  }
0x18: {  	[tilespmem:$0x4010] =	vst v0  }
0x19: {  	[tilespmem:$0x4020] =	vst v0  }
0x1a: {  	[tilespmem:$0x4030] =	vst v0  }
0x1b: {  	[tilespmem:$0x4040] =	vst v0  }
0x1c: {  	[spmem:s12], [sflag:s8] =	dma.local [hbm:s7], $0x50  }
.Ltmp2:
0x1d: {  	_ =	swait.ge [sflag:s13], $0x50;
	(pc) =	sbr.rel @!p0 .LBB2_2-.Ltmp2, $4  }
0x1e: {  	[sflag:s13] =	ssyncset.done $0x0  }
0x1f: {  	[sflag:s13] =	ssyncadd.s32 $0xFFFFFFB0  }
0x20: {  	[bflag:$0x0] =	sbarrier.arrive $0xFFFF  }
0x21: {  	s16 =	simm.s32 $0x0  }
0x22: {  	[tilespmem:s16], [sflag:$0x1] =	stream.linear.gather [hbm4b:s10+s16], $0x4000, $0x38;
	[tilespmem:$0x4300] =	vst v63  }
0x23: {  	_ =	swait.ge [sflag:s13], $0x4000  }
0x24: {  	[sflag:s13] =	ssyncset.done $0x0  }
0x25: {  	s31 =	simm.s32 $0x0;
	[sflag:s13] =	ssyncadd.s32 $0xFFFFC000  }
0x26: {  	[spmem:s2] =	stream.indirect.scatter.add.f32 [tilespmem:s15], [sflag:$0x1], $0x1, s31, s14, $0xb8;
	[tilespmem:$0x4300] =	vst v63  }
0x27: {  	_ =	swait.ge [sflag:s13], $0x50  }
0x28: {  	s16 =	simm.s32 $0x200;
	[sflag:s13] =	ssyncset.done $0x0  }
.LBB2_6:
0x29: {  	s17 =	sshra.s32 s16, $0x2;
	[sflag:s13] =	ssyncadd.s32 $0xFFFFFFB0;
	p1 =	sne.s32 s16, $0xFE00  }
0x2a: {  	[spmem:s2] =	stream.indirect.scatter.add.f32 [tilespmem:s15], [sflag:$0x1], $0x1, s17, s14, $0xb8;
	[tilespmem:$0x4300] =	vst v63  }
.Ltmp3:
0x2b: {  	_ = 	snop;
	(pc) =	sbr.rel @p1 .LBB2_6-.Ltmp3, $4  }
0x2c: {  	_ = 	snop  }
0x2d: {  	s16 =	sadd.s32 $0x200, s16  }
0x2e: {  	_ =	swait.ge [sflag:s13], $0x50  }
0x2f: {  	[sflag:s13] =	ssyncset.done $0x0  }
.Ltmp4:
0x30: {  	_ = 	snop;
	(pc) =	sbr.rel .LBB2_7-.Ltmp4, $1  }
0x31: {  	_ =	sdelay $0x3  }
.LBB2_2:
0x32: {  	[tilespmem:s16], [sflag:$0x1] =	stream.linear.gather [hbm4b:s9+s16], $0x4000, $0x38;
	[tilespmem:$0x4300] =	vst v63  }
0x33: {  	_ =	swait.ge [sflag:s13], $0x4000  }
0x34: {  	[sflag:s13] =	ssyncset.done $0x0  }
0x35: {  	s31 =	simm.s32 $0x0;
	[sflag:s13] =	ssyncadd.s32 $0xFFFFC000  }
0x36: {  	[spmem:s2] =	stream.indirect.scatter.add.f32 [tilespmem:s15], [sflag:$0x1], $0x1, s31, s14, $0xb8;
	[tilespmem:$0x4300] =	vst v63  }
0x37: {  	_ =	swait.ge [sflag:s13], $0x50  }
0x38: {  	s16 =	simm.s32 $0x200;
	[sflag:s13] =	ssyncset.done $0x0  }
.LBB2_3:
0x39: {  	s17 =	sshra.s32 s16, $0x2;
	[sflag:s13] =	ssyncadd.s32 $0xFFFFFFB0;
	p1 =	seq.s32 s16, $0xFE00  }
0x3a: {  	[spmem:s2] =	stream.indirect.scatter.add.f32 [tilespmem:s15], [sflag:$0x1], $0x1, s17, s14, $0xb8;
	[tilespmem:$0x4300] =	vst v63  }
.Ltmp5:
0x3b: {  	_ = 	snop;
	(pc) =	sbr.rel @!p1 .LBB2_3-.Ltmp5, $4  }
0x3c: {  	_ = 	snop  }
0x3d: {  	s16 =	sadd.s32 $0x200, s16  }
0x3e: {  	_ =	swait.ge [sflag:s13], $0x50  }
0x3f: {  	[sflag:s13] =	ssyncset.done $0x0  }
.Ltmp6:
0x40: {  	(pc) =	sbr.rel .LBB2_8-.Ltmp6, $2  }
0x41: {  	_ =	sdelay $0x2  }
0x42: {  	[sflag:s13] =	ssyncadd.s32 $0xFFFFFFB0;
	s16 =	smov.u32 s5  }
.LBB2_9:
0x43: {  	_ =	sfence.sel $0x180000  }
0x44: {  	[bflag:$0x0] =	sbarrier.arrive $0xFFFF  }
0x45: {  	p0 =	sne.s32 s1, $0x0;
	_ =	strace $0x90000047  }
0x46: {  	s0 =	sadd.s32 @!p0 $0x100000, s0;
	[bflag:$0x2] =	sbarrier.arrive $0xFFFF  }
0x47: {  	[sflag:s0] =	ssyncadd.tile.s32 @!p0 $0x1;
	_ =	shalt  }
.Lfunc_end2:
_tile_overlayer_lowered:
.L_overlay_start_2:
0x48: {  	(tag) =	ssettag $0x2  }
0x49: {  	s0 =	rddreg [dreg:$0x0];
	s2 =	stileid.u32  }
0x4a: {  	s1 =	rddreg [dreg:$0x1];
	p0 =	sne.s32 s2, $0x0  }
0x4b: {  	s3 =	rddreg [dreg:$0x2];
	[bflag:$0x3] =	sbarrier.arrive $0xFFFF;
	s2 =	simm.s32 @!p0 $0x1C01  }
0x4c: {  	[timem:s3], [sflag:s2] =	dma.local @!p0 [hbm:s0], s1  }
0x4d: {  	s0 =	simm.s32 @!p0 $0x1  }
0x4e: {  	_ =	swait.ge @!p0 [sflag:s0], s1  }
0x4f: {  	s1 =	ssub.s32 @!p0 $0x0, s1;
	[sflag:s0] =	ssyncset.done @!p0 $0x0  }
0x50: {  	[sflag:s0] =	ssyncadd.s32 @!p0 s1  }
0x51: {  	[bflag:$0x3] =	sbarrier.arrive $0xFFFF  }
0x52: {  	_ =	shalt  }

</sc_bundles>
